<compile_context>
chip_gen: v7x
topology: tpu7x:2x2x1
jax: 0.10.2.dev20260603
libtpu: 0.0.44.dev20260713+nightly
codegen_flags: <defaults>
</compile_context>

<pallas_src>
import functools
import math

import jax
import jax.numpy as jnp
from jax import lax
from jax.experimental import pallas as pl
from jax.experimental.pallas import tpu as pltpu
from jax.experimental.pallas import tpu_sc as plsc

_F32 = jnp.float32

_N = 10000
_E = 320000
_H = 4
_C = 32
_D = 128

_NC = 2
_NS = 16
_NW = _NC * _NS
_CH = 128
_NCH = 80
_EPW = _CH * _NCH
_EP = _EPW * _NW
_NPAD = 10240
_NPS = _NPAD // _NS

_BN = 400
_BE = 512


def _proj_body(x_ref, w_ref, b_ref, k_ref, v_ref, q_ref, xr_ref):
    y = jnp.dot(x_ref[...], w_ref[...], preferred_element_type=_F32)
    y = y + b_ref[...]
    k_ref[...] = y[:, :_D]
    v_ref[...] = y[:, _D : 2 * _D]
    q_ref[...] = y[:, 2 * _D : 3 * _D]
    xr_ref[...] = y[:, 3 * _D :]


def _proj(x, w, b):
    nspec = pl.BlockSpec((_BN, _D), lambda i: (i, 0))
    nshape = jax.ShapeDtypeStruct((_N, _D), _F32)
    return pl.pallas_call(
        _proj_body,
        grid=(_N // _BN,),
        in_specs=[
            pl.BlockSpec((_BN, _D), lambda i: (i, 0)),
            pl.BlockSpec((_D, 4 * _D), lambda i: (0, 0)),
            pl.BlockSpec((1, 4 * _D), lambda i: (0, 0)),
        ],
        out_specs=[nspec, nspec, nspec, nspec],
        out_shape=[nshape, nshape, nshape, nshape],
    )(x, w, b)


def _sc_gather(kt, vt, qt, src3, dst3):
    mesh = plsc.VectorSubcoreMesh(core_axis_name="c", subcore_axis_name="s")
    eshape = jax.ShapeDtypeStruct((_EP, _D), _F32)

    @functools.partial(
        pl.kernel,
        out_type=[eshape, eshape, eshape],
        mesh=mesh,
        scratch_types=[
            pltpu.VMEM((_NCH, _CH), jnp.int32),
            pltpu.VMEM((_NCH, _CH), jnp.int32),
            pltpu.VMEM((_CH, _D), _F32),
            pltpu.VMEM((_CH, _D), _F32),
            pltpu.VMEM((_CH, _D), _F32),
            pltpu.SemaphoreType.DMA,
            pltpu.SemaphoreType.DMA,
            pltpu.SemaphoreType.DMA,
        ],
    )
    def k(k_hbm, v_hbm, q_hbm, src_hbm, dst_hbm, ks_hbm, vs_hbm, qd_hbm,
          src_v, dst_v, k_buf, v_buf, q_buf, sem1, sem2, sem3):
        wid = lax.axis_index("s") * _NC + lax.axis_index("c")
        base = wid * _EPW
        pltpu.sync_copy(src_hbm.at[wid], src_v)
        pltpu.sync_copy(dst_hbm.at[wid], dst_v)

        @pl.loop(0, _NCH)
        def _(j):
            c1 = pltpu.async_copy(k_hbm.at[src_v.at[j]], k_buf, sem1)
            c2 = pltpu.async_copy(v_hbm.at[src_v.at[j]], v_buf, sem2)
            c3 = pltpu.async_copy(q_hbm.at[dst_v.at[j]], q_buf, sem3)
            c1.wait()
            c2.wait()
            c3.wait()
            pltpu.sync_copy(k_buf, ks_hbm.at[pl.ds(base + j * _CH, _CH)])
            pltpu.sync_copy(v_buf, vs_hbm.at[pl.ds(base + j * _CH, _CH)])
            pltpu.sync_copy(q_buf, qd_hbm.at[pl.ds(base + j * _CH, _CH)])

    return k(kt, vt, qt, src3, dst3)


def _edge_body(ea_ref, ks_ref, vs_ref, qd_ref, we1_ref, be1_ref, we2_ref,
               be2_ref, wed_ref, m_ref, exb_ref):
    h = jnp.dot(ea_ref[...], we1_ref[...], preferred_element_type=_F32)
    h = h + be1_ref[...]
    h = jnp.where(h >= 0, h, 0.15 * h)
    emb = jnp.dot(h, we2_ref[...], preferred_element_type=_F32) + be2_ref[...]
    e = jnp.dot(emb, wed_ref[...], preferred_element_type=_F32)
    prod = qd_ref[...] * (ks_ref[...] + e)
    inv = 1.0 / math.sqrt(float(_C))
    exs = []
    for hh in range(_H):
        a = jnp.sum(prod[:, _C * hh : _C * (hh + 1)], axis=1, keepdims=True)
        exs.append(jnp.exp(a * inv))
    scale = jnp.concatenate(
        [jnp.broadcast_to(exs[hh], (_BE, _C)) for hh in range(_H)], axis=1)
    m_ref[...] = (vs_ref[...] + e) * scale
    exb_ref[...] = scale


def _edge_stage(edge_attr, ks, vs, qd, we1, be1, we2, be2, wed):
    edim = edge_attr.shape[1]
    espec = pl.BlockSpec((_BE, _D), lambda i: (i, 0))
    eshape = jax.ShapeDtypeStruct((_EP, _D), _F32)
    return pl.pallas_call(
        _edge_body,
        grid=(_EP // _BE,),
        in_specs=[
            pl.BlockSpec((_BE, edim), lambda i: (i, 0)),
            espec,
            espec,
            espec,
            pl.BlockSpec((edim, _D), lambda i: (0, 0)),
            pl.BlockSpec((1, _D), lambda i: (0, 0)),
            pl.BlockSpec((_D, _D), lambda i: (0, 0)),
            pl.BlockSpec((1, _D), lambda i: (0, 0)),
            pl.BlockSpec((_D, _D), lambda i: (0, 0)),
        ],
        out_specs=[espec, espec],
        out_shape=[eshape, eshape],
    )(edge_attr, ks, vs, qd, we1, be1, we2, be2, wed)


def _sc_scatter(m, exb, dst3, zeros):
    mesh = plsc.VectorSubcoreMesh(core_axis_name="c", subcore_axis_name="s")
    oshape = jax.ShapeDtypeStruct((_NC, _NPAD, _D), _F32)

    @functools.partial(
        pl.kernel,
        out_type=[oshape, oshape],
        mesh=mesh,
        scratch_types=[
            pltpu.VMEM((_NCH, _CH), jnp.int32),
            pltpu.VMEM((_CH, _D), _F32),
            pltpu.VMEM_SHARED((_NPAD, _D), _F32),
        ],
    )
    def k(m_hbm, exb_hbm, dst_hbm, z_hbm, om_hbm, oe_hbm, idx_v, buf, acc):
        c = lax.axis_index("c")
        s = lax.axis_index("s")
        pltpu.sync_copy(z_hbm.at[pl.ds(s * _NPS, _NPS)],
                        acc.at[pl.ds(s * _NPS, _NPS)])
        pltpu.sync_copy(dst_hbm.at[c, s], idx_v)
        plsc.subcore_barrier()
        base = (c * _NS + s) * _EPW

        @pl.loop(0, _NCH)
        def _(j):
            pltpu.sync_copy(m_hbm.at[pl.ds(base + j * _CH, _CH)], buf)
            pltpu.sync_copy(buf, acc.at[idx_v.at[j]], add=True)

        plsc.subcore_barrier()
        pltpu.sync_copy(acc.at[pl.ds(s * _NPS, _NPS)],
                        om_hbm.at[c, pl.ds(s * _NPS, _NPS)])
        pltpu.sync_copy(z_hbm.at[pl.ds(s * _NPS, _NPS)],
                        acc.at[pl.ds(s * _NPS, _NPS)])
        plsc.subcore_barrier()

        @pl.loop(0, _NCH)
        def _(j):
            pltpu.sync_copy(exb_hbm.at[pl.ds(base + j * _CH, _CH)], buf)
            pltpu.sync_copy(buf, acc.at[idx_v.at[j]], add=True)

        plsc.subcore_barrier()
        pltpu.sync_copy(acc.at[pl.ds(s * _NPS, _NPS)],
                        oe_hbm.at[c, pl.ds(s * _NPS, _NPS)])

    return k(m, exb, dst3, zeros)


def _final_body(m0_ref, m1_ref, e0_ref, e1_ref, xr_ref, u_ref, w_ref,
                out_ref):
    magg = m0_ref[...] + m1_ref[...]
    den = e0_ref[...] + e1_ref[...]
    out = magg / (den + 1e-16)
    xr = xr_ref[...]
    logit = jnp.sum(out * u_ref[...] + xr * w_ref[...], axis=1, keepdims=True)
    beta = jax.nn.sigmoid(logit)
    out_ref[...] = beta * xr + (1.0 - beta) * out


def _final_stage(m0, m1, e0, e1, xr, u, w):
    nspec = pl.BlockSpec((_BN, _D), lambda i: (i, 0))
    return pl.pallas_call(
        _final_body,
        grid=(_N // _BN,),
        in_specs=[
            nspec, nspec, nspec, nspec, nspec,
            pl.BlockSpec((1, _D), lambda i: (0, 0)),
            pl.BlockSpec((1, _D), lambda i: (0, 0)),
        ],
        out_specs=nspec,
        out_shape=jax.ShapeDtypeStruct((_N, _D), _F32),
    )(m0, m1, e0, e1, xr, u, w)


def kernel(x, edge_index, edge_attr, We1, be1, We2, be2, Wq, bq, Wk, bk,
           Wv, bv, Wedge, Wskip, bskip, Wbeta):
    assert x.shape == (_N, _D) and edge_index.shape == (2, _E)
    pad = _EP - _E
    src = jnp.pad(edge_index[0], (0, pad))
    dst = jnp.pad(edge_index[1], (0, pad), constant_values=_N)
    ea_p = jnp.pad(edge_attr, ((0, pad), (0, 0)))

    w_all = jnp.concatenate([Wk, Wv, Wq, Wskip], axis=1)
    b_all = jnp.concatenate([bk, bv, bq, bskip]).reshape(1, 4 * _D)
    kt, vt, qt, xr = _proj(x, w_all, b_all)

    src3 = src.reshape(_NW, _NCH, _CH)
    dstg = dst.reshape(_NW, _NCH, _CH)
    ks, vs, qd = _sc_gather(kt, vt, qt, src3, dstg)

    eargs = jax.lax.optimization_barrier(
        (ea_p, ks, vs, qd, We1, be1.reshape(1, _D), We2,
         be2.reshape(1, _D), Wedge))
    m, exb = jax.lax.optimization_barrier(_edge_stage(*eargs))

    dst3 = dst.reshape(_NC, _NS, _NCH, _CH)
    om, oe = _sc_scatter(m, exb, dst3, jnp.zeros((_NPAD, _D), _F32))

    u = (Wbeta[:_D, 0] + Wbeta[2 * _D :, 0]).reshape(1, _D)
    w = (Wbeta[_D : 2 * _D, 0] - Wbeta[2 * _D :, 0]).reshape(1, _D)
    return _final_stage(om[0, :_N], om[1, :_N], oe[0, :_N], oe[1, :_N],
                        xr, u, w)

# --- scband reference (transcript-rebuilt; emitter-appended) ---
"""Pipeline reference for scband-edge-trans-85074712199736 (READ-ONLY COPY).

The authoritative reference and input builder live on the scoring server;
editing this copy changes nothing except your own understanding.
"""

import jax, jax.numpy as jnp
import numpy as np

N = 10000
E = 320000
DIN = 128
EMB = 128
H = 4
C = 32
EDIM = 16


def setup_inputs(seed: int = 0):
    key = jax.random.key(seed)
    ks = jax.random.split(key, 16)
    def w(i, shape):
        return jax.random.normal(ks[i], shape, dtype=jnp.float32) * 0.05
    x = jax.random.normal(ks[0], (N, DIN), dtype=jnp.float32)
    edge_index = jax.random.randint(ks[1], (2, E), 0, N, dtype=jnp.int32)
    edge_attr = jax.random.normal(ks[2], (E, EDIM), dtype=jnp.float32)
    return {
        "x": x,
        "edge_index": edge_index,
        "edge_attr": edge_attr,
        "We1": w(3, (EDIM, EMB)), "be1": jnp.zeros((EMB,), jnp.float32),
        "We2": w(4, (EMB, EMB)), "be2": jnp.zeros((EMB,), jnp.float32),
        "Wq": w(5, (DIN, H * C)), "bq": jnp.zeros((H * C,), jnp.float32),
        "Wk": w(6, (DIN, H * C)), "bk": jnp.zeros((H * C,), jnp.float32),
        "Wv": w(7, (DIN, H * C)), "bv": jnp.zeros((H * C,), jnp.float32),
        "Wedge": w(8, (EMB, H * C)),
        "Wskip": w(9, (DIN, H * C)), "bskip": jnp.zeros((H * C,), jnp.float32),
        "Wbeta": w(10, (3 * H * C, 1)),
    }


def reference(x, edge_index, edge_attr, We1, be1, We2, be2, Wq, bq, Wk, bk, Wv, bv, Wedge, Wskip, bskip, Wbeta):
    src = edge_index[0]
    dst = edge_index[1]
    # edge_encoder: Linear -> LeakyReLU(0.15) -> Linear (dropout is identity in eval)
    h = jnp.dot(edge_attr, We1) + be1
    h = jnp.where(h >= 0, h, 0.15 * h)
    edge_emb = jnp.dot(h, We2) + be2
    # TransformerConv (heads=4, concat=True, root_weight=True, beta=True, edge_dim=EMB)
    q = (jnp.dot(x, Wq) + bq).reshape(N, H, C)
    k = (jnp.dot(x, Wk) + bk).reshape(N, H, C)
    v = (jnp.dot(x, Wv) + bv).reshape(N, H, C)
    e = jnp.dot(edge_emb, Wedge).reshape(E, H, C)
    k_j = k[src] + e
    alpha = jnp.sum(q[dst] * k_j, axis=-1) / jnp.sqrt(float(C))
    amax = jax.ops.segment_max(alpha, dst, num_segments=N)
    amax = jnp.where(jnp.isfinite(amax), amax, 0.0)
    ex = jnp.exp(alpha - jax.lax.stop_gradient(amax)[dst])
    denom = jax.ops.segment_sum(ex, dst, num_segments=N)
    attn = ex / (denom[dst] + 1e-16)
    msg = (v[src] + e) * attn[:, :, None]
    out = jax.ops.segment_sum(msg, dst, num_segments=N).reshape(N, H * C)
    x_r = jnp.dot(x, Wskip) + bskip
    beta = jax.nn.sigmoid(jnp.dot(jnp.concatenate([out, x_r, out - x_r], axis=-1), Wbeta))
    out = beta * x_r + (1.0 - beta) * out
    # final_proj is Identity (heads*out_per_head == emb_dim)
    return out

if __name__ == "__main__":
    import jax
    _d = setup_inputs()
    print(jax.jit(kernel)(*tuple(_d.values())))

</pallas_src>

<mosaic_0001>
#map = affine_map<(d0, d1) -> (0, 0)>
#map1 = affine_map<(d0, d1) -> (0, 0, 0)>
module attributes {stable_mosaic.version = 14 : i64} {
  func.func @k(%arg0: i32, %arg1: i32, %arg2: memref<10000x128xf32, #tpu.memory_space<hbm>>, %arg3: memref<10000x128xf32, #tpu.memory_space<hbm>>, %arg4: memref<10000x128xf32, #tpu.memory_space<hbm>>, %arg5: memref<32x80x128xi32, #tpu.memory_space<hbm>>, %arg6: memref<32x80x128xi32, #tpu.memory_space<hbm>>, %arg7: memref<327680x128xf32, #tpu.memory_space<hbm>>, %arg8: memref<327680x128xf32, #tpu.memory_space<hbm>>, %arg9: memref<327680x128xf32, #tpu.memory_space<hbm>>, %arg10: memref<80x128xi32, #tpu.memory_space<vmem>>, %arg11: memref<80x128xi32, #tpu.memory_space<vmem>>, %arg12: memref<128x128xf32, #tpu.memory_space<vmem>>, %arg13: memref<128x128xf32, #tpu.memory_space<vmem>>, %arg14: memref<128x128xf32, #tpu.memory_space<vmem>>, %arg15: memref<!tpu.dma_semaphore, #tpu.memory_space<semaphore_mem>>, %arg16: memref<!tpu.dma_semaphore, #tpu.memory_space<semaphore_mem>>, %arg17: memref<!tpu.dma_semaphore, #tpu.memory_space<semaphore_mem>>) attributes {dimension_semantics = [#tpu.dimension_semantics<core_parallel>, #tpu.dimension_semantics<subcore_parallel>], iteration_bounds = array<i64: 2, 16>, scalar_prefetch = 0 : i64, scratch_operands = 8 : i64, tpu.core_type = #tpu.core_type<sc_vector_subcore>, window_params = [{transform_indices = #map}, {transform_indices = #map}, {transform_indices = #map}, {transform_indices = #map1}, {transform_indices = #map1}, {transform_indices = #map}, {transform_indices = #map}, {transform_indices = #map}]} {
    %mul3A = arith.constant 2 : i32
    %mul3A_0 = arith.muli %arg1, %mul3A : i32
    %add3A = arith.addi %mul3A_0, %arg0 : i32
    %mul3A_1 = arith.constant 10240 : i32
    %mul3A_2 = arith.muli %add3A, %mul3A_1 : i32
    "tpu.region"() ({
      %run_scoped3A = tpu.sem_alloc : memref<!tpu.dma_semaphore, #tpu.memory_space<semaphore_mem>>
      %dma_start3A = arith.constant 0 : i32
      %dma_start3A_7 = arith.constant 0 : i32
      %dma_start3A_8 = tpu.memref_slice %arg5[%add3A, %dma_start3A, %dma_start3A_7] : memref<32x80x128xi32, #tpu.memory_space<hbm>> -> memref<1x80x128xi32, #tpu.memory_space<hbm>>
      %dma_start3A_9 = tpu.memref_squeeze %dma_start3A_8 : memref<1x80x128xi32, #tpu.memory_space<hbm>> -> memref<80x128xi32, #tpu.memory_space<hbm>>
      %dma_start3A_10 = arith.constant 0 : i32
      %dma_start3A_11 = arith.constant 0 : i32
      %dma_start3A_12 = tpu.memref_slice %arg5[%add3A, %dma_start3A_10, %dma_start3A_11] : memref<32x80x128xi32, #tpu.memory_space<hbm>> -> memref<1x80x128xi32, #tpu.memory_space<hbm>>
      %dma_start3A_13 = tpu.memref_squeeze %dma_start3A_12 : memref<1x80x128xi32, #tpu.memory_space<hbm>> -> memref<80x128xi32, #tpu.memory_space<hbm>>
      tpu.enqueue_dma source(%dma_start3A_13 : memref<80x128xi32, #tpu.memory_space<hbm>>) target(%arg10 : memref<80x128xi32, #tpu.memory_space<vmem>>) target_semaphore(%run_scoped3A : memref<!tpu.dma_semaphore, #tpu.memory_space<semaphore_mem>>)
      %dma_wait3A = arith.constant 0 : i32
      %dma_wait3A_14 = arith.constant 0 : i32
      %dma_wait3A_15 = tpu.memref_slice %arg5[%add3A, %dma_wait3A, %dma_wait3A_14] : memref<32x80x128xi32, #tpu.memory_space<hbm>> -> memref<1x80x128xi32, #tpu.memory_space<hbm>>
      %dma_wait3A_16 = tpu.memref_squeeze %dma_wait3A_15 : memref<1x80x128xi32, #tpu.memory_space<hbm>> -> memref<80x128xi32, #tpu.memory_space<hbm>>
      %dma_wait3A_17 = arith.constant 0 : i32
      %dma_wait3A_18 = arith.constant 0 : i32
      %dma_wait3A_19 = tpu.memref_slice %arg5[%add3A, %dma_wait3A_17, %dma_wait3A_18] : memref<32x80x128xi32, #tpu.memory_space<hbm>> -> memref<1x80x128xi32, #tpu.memory_space<hbm>>
      %dma_wait3A_20 = tpu.memref_squeeze %dma_wait3A_19 : memref<1x80x128xi32, #tpu.memory_space<hbm>> -> memref<80x128xi32, #tpu.memory_space<hbm>>
      tpu.wait_dma2 semaphore(%run_scoped3A : memref<!tpu.dma_semaphore, #tpu.memory_space<semaphore_mem>>) src(%dma_wait3A_20 : memref<80x128xi32, #tpu.memory_space<hbm>>) dst(%arg10 : memref<80x128xi32, #tpu.memory_space<vmem>>)
      tpu.yield
    }) : () -> ()
    "tpu.region"() ({
      %run_scoped3A = tpu.sem_alloc : memref<!tpu.dma_semaphore, #tpu.memory_space<semaphore_mem>>
      %dma_start3A = arith.constant 0 : i32
      %dma_start3A_7 = arith.constant 0 : i32
      %dma_start3A_8 = tpu.memref_slice %arg6[%add3A, %dma_start3A, %dma_start3A_7] : memref<32x80x128xi32, #tpu.memory_space<hbm>> -> memref<1x80x128xi32, #tpu.memory_space<hbm>>
      %dma_start3A_9 = tpu.memref_squeeze %dma_start3A_8 : memref<1x80x128xi32, #tpu.memory_space<hbm>> -> memref<80x128xi32, #tpu.memory_space<hbm>>
      %dma_start3A_10 = arith.constant 0 : i32
      %dma_start3A_11 = arith.constant 0 : i32
      %dma_start3A_12 = tpu.memref_slice %arg6[%add3A, %dma_start3A_10, %dma_start3A_11] : memref<32x80x128xi32, #tpu.memory_space<hbm>> -> memref<1x80x128xi32, #tpu.memory_space<hbm>>
      %dma_start3A_13 = tpu.memref_squeeze %dma_start3A_12 : memref<1x80x128xi32, #tpu.memory_space<hbm>> -> memref<80x128xi32, #tpu.memory_space<hbm>>
      tpu.enqueue_dma source(%dma_start3A_13 : memref<80x128xi32, #tpu.memory_space<hbm>>) target(%arg11 : memref<80x128xi32, #tpu.memory_space<vmem>>) target_semaphore(%run_scoped3A : memref<!tpu.dma_semaphore, #tpu.memory_space<semaphore_mem>>)
      %dma_wait3A = arith.constant 0 : i32
      %dma_wait3A_14 = arith.constant 0 : i32
      %dma_wait3A_15 = tpu.memref_slice %arg6[%add3A, %dma_wait3A, %dma_wait3A_14] : memref<32x80x128xi32, #tpu.memory_space<hbm>> -> memref<1x80x128xi32, #tpu.memory_space<hbm>>
      %dma_wait3A_16 = tpu.memref_squeeze %dma_wait3A_15 : memref<1x80x128xi32, #tpu.memory_space<hbm>> -> memref<80x128xi32, #tpu.memory_space<hbm>>
      %dma_wait3A_17 = arith.constant 0 : i32
      %dma_wait3A_18 = arith.constant 0 : i32
      %dma_wait3A_19 = tpu.memref_slice %arg6[%add3A, %dma_wait3A_17, %dma_wait3A_18] : memref<32x80x128xi32, #tpu.memory_space<hbm>> -> memref<1x80x128xi32, #tpu.memory_space<hbm>>
      %dma_wait3A_20 = tpu.memref_squeeze %dma_wait3A_19 : memref<1x80x128xi32, #tpu.memory_space<hbm>> -> memref<80x128xi32, #tpu.memory_space<hbm>>
      tpu.wait_dma2 semaphore(%run_scoped3A : memref<!tpu.dma_semaphore, #tpu.memory_space<semaphore_mem>>) src(%dma_wait3A_20 : memref<80x128xi32, #tpu.memory_space<hbm>>) dst(%arg11 : memref<80x128xi32, #tpu.memory_space<vmem>>)
      tpu.yield
    }) : () -> ()
    %scan3A = arith.constant 0 : i32
    %scan3A_3 = arith.constant 80 : i32
    %scan3A_4 = arith.addi %scan3A, %scan3A_3 : i32
    %scan3A_5 = arith.constant 1 : i32
    scf.for %scan3A_7 = %scan3A to %scan3A_4 step %scan3A_5  : i32 {
      %mul3A_8 = arith.constant 1 : i32
      %mul3A_9 = arith.muli %scan3A_7, %mul3A_8 : i32
      %add3A_10 = arith.constant 0 : i32
      %add3A_11 = arith.addi %add3A_10, %mul3A_9 : i32
      %dma_start3A = arith.constant 0 : i32
      %dma_start3A_12 = tpu.memref_slice %arg10[%add3A_11, %dma_start3A] : memref<80x128xi32, #tpu.memory_space<vmem>> -> memref<1x128xi32, #tpu.memory_space<vmem>>
      %dma_start3A_13 = tpu.memref_squeeze %dma_start3A_12 : memref<1x128xi32, #tpu.memory_space<vmem>> -> memref<128xi32, #tpu.memory_space<vmem>>
      %dma_start3A_14 = arith.constant 0 : i32
      %dma_start3A_15 = arith.constant 0 : i32
      %dma_start3A_16 = tpu.memref_slice %arg2[%dma_start3A_14, %dma_start3A_15] : memref<10000x128xf32, #tpu.memory_space<hbm>> -> memref<10000x128xf32, #tpu.memory_space<hbm>>
      tpu.enqueue_indirect_dma source(%dma_start3A_16 : memref<10000x128xf32, #tpu.memory_space<hbm>>) target(%arg12 : memref<128x128xf32, #tpu.memory_space<vmem>>) offsets(%dma_start3A_13 : memref<128xi32, #tpu.memory_space<vmem>>) semaphore(%arg15 : memref<!tpu.dma_semaphore, #tpu.memory_space<semaphore_mem>>)
      %dma_start3A_17 = arith.constant 0 : i32
      %dma_start3A_18 = tpu.memref_slice %arg10[%add3A_11, %dma_start3A_17] : memref<80x128xi32, #tpu.memory_space<vmem>> -> memref<1x128xi32, #tpu.memory_space<vmem>>
      %dma_start3A_19 = tpu.memref_squeeze %dma_start3A_18 : memref<1x128xi32, #tpu.memory_space<vmem>> -> memref<128xi32, #tpu.memory_space<vmem>>
      %dma_start3A_20 = arith.constant 0 : i32
      %dma_start3A_21 = arith.constant 0 : i32
      %dma_start3A_22 = tpu.memref_slice %arg3[%dma_start3A_20, %dma_start3A_21] : memref<10000x128xf32, #tpu.memory_space<hbm>> -> memref<10000x128xf32, #tpu.memory_space<hbm>>
      tpu.enqueue_indirect_dma source(%dma_start3A_22 : memref<10000x128xf32, #tpu.memory_space<hbm>>) target(%arg13 : memref<128x128xf32, #tpu.memory_space<vmem>>) offsets(%dma_start3A_19 : memref<128xi32, #tpu.memory_space<vmem>>) semaphore(%arg16 : memref<!tpu.dma_semaphore, #tpu.memory_space<semaphore_mem>>)
      %dma_start3A_23 = arith.constant 0 : i32
      %dma_start3A_24 = tpu.memref_slice %arg11[%add3A_11, %dma_start3A_23] : memref<80x128xi32, #tpu.memory_space<vmem>> -> memref<1x128xi32, #tpu.memory_space<vmem>>
      %dma_start3A_25 = tpu.memref_squeeze %dma_start3A_24 : memref<1x128xi32, #tpu.memory_space<vmem>> -> memref<128xi32, #tpu.memory_space<vmem>>
      %dma_start3A_26 = arith.constant 0 : i32
      %dma_start3A_27 = arith.constant 0 : i32
      %dma_start3A_28 = tpu.memref_slice %arg4[%dma_start3A_26, %dma_start3A_27] : memref<10000x128xf32, #tpu.memory_space<hbm>> -> memref<10000x128xf32, #tpu.memory_space<hbm>>
      tpu.enqueue_indirect_dma source(%dma_start3A_28 : memref<10000x128xf32, #tpu.memory_space<hbm>>) target(%arg14 : memref<128x128xf32, #tpu.memory_space<vmem>>) offsets(%dma_start3A_25 : memref<128xi32, #tpu.memory_space<vmem>>) semaphore(%arg17 : memref<!tpu.dma_semaphore, #tpu.memory_space<semaphore_mem>>)
      %dma_wait3A = arith.constant 0 : i32
      %dma_wait3A_29 = tpu.memref_slice %arg10[%add3A_11, %dma_wait3A] : memref<80x128xi32, #tpu.memory_space<vmem>> -> memref<1x128xi32, #tpu.memory_space<vmem>>
      %dma_wait3A_30 = tpu.memref_squeeze %dma_wait3A_29 : memref<1x128xi32, #tpu.memory_space<vmem>> -> memref<128xi32, #tpu.memory_space<vmem>>
      %dma_wait3A_31 = arith.constant 0 : i32
      %dma_wait3A_32 = arith.constant 0 : i32
      %dma_wait3A_33 = tpu.memref_slice %arg2[%dma_wait3A_31, %dma_wait3A_32] : memref<10000x128xf32, #tpu.memory_space<hbm>> -> memref<10000x128xf32, #tpu.memory_space<hbm>>
      tpu.wait_indirect_dma semaphore(%arg15 : memref<!tpu.dma_semaphore, #tpu.memory_space<semaphore_mem>>) src(%dma_wait3A_33 : memref<10000x128xf32, #tpu.memory_space<hbm>>) dst(%arg12 : memref<128x128xf32, #tpu.memory_space<vmem>>)
      %dma_wait3A_34 = arith.constant 0 : i32
      %dma_wait3A_35 = tpu.memref_slice %arg10[%add3A_11, %dma_wait3A_34] : memref<80x128xi32, #tpu.memory_space<vmem>> -> memref<1x128xi32, #tpu.memory_space<vmem>>
      %dma_wait3A_36 = tpu.memref_squeeze %dma_wait3A_35 : memref<1x128xi32, #tpu.memory_space<vmem>> -> memref<128xi32, #tpu.memory_space<vmem>>
      %dma_wait3A_37 = arith.constant 0 : i32
      %dma_wait3A_38 = arith.constant 0 : i32
      %dma_wait3A_39 = tpu.memref_slice %arg3[%dma_wait3A_37, %dma_wait3A_38] : memref<10000x128xf32, #tpu.memory_space<hbm>> -> memref<10000x128xf32, #tpu.memory_space<hbm>>
      tpu.wait_indirect_dma semaphore(%arg16 : memref<!tpu.dma_semaphore, #tpu.memory_space<semaphore_mem>>) src(%dma_wait3A_39 : memref<10000x128xf32, #tpu.memory_space<hbm>>) dst(%arg13 : memref<128x128xf32, #tpu.memory_space<vmem>>)
      %dma_wait3A_40 = arith.constant 0 : i32
      %dma_wait3A_41 = tpu.memref_slice %arg11[%add3A_11, %dma_wait3A_40] : memref<80x128xi32, #tpu.memory_space<vmem>> -> memref<1x128xi32, #tpu.memory_space<vmem>>
      %dma_wait3A_42 = tpu.memref_squeeze %dma_wait3A_41 : memref<1x128xi32, #tpu.memory_space<vmem>> -> memref<128xi32, #tpu.memory_space<vmem>>
      %dma_wait3A_43 = arith.constant 0 : i32
      %dma_wait3A_44 = arith.constant 0 : i32
      %dma_wait3A_45 = tpu.memref_slice %arg4[%dma_wait3A_43, %dma_wait3A_44] : memref<10000x128xf32, #tpu.memory_space<hbm>> -> memref<10000x128xf32, #tpu.memory_space<hbm>>
      tpu.wait_indirect_dma semaphore(%arg17 : memref<!tpu.dma_semaphore, #tpu.memory_space<semaphore_mem>>) src(%dma_wait3A_45 : memref<10000x128xf32, #tpu.memory_space<hbm>>) dst(%arg14 : memref<128x128xf32, #tpu.memory_space<vmem>>)
      %mul3A_46 = arith.constant 128 : i32
      %mul3A_47 = arith.muli %add3A_11, %mul3A_46 : i32
      %add3A_48 = arith.addi %mul3A_2, %mul3A_47 : i32
      "tpu.region"() ({
        %run_scoped3A = tpu.sem_alloc : memref<!tpu.dma_semaphore, #tpu.memory_space<semaphore_mem>>
        %dma_start3A_55 = arith.constant 0 : i32
        %dma_start3A_56 = tpu.memref_slice %arg7[%add3A_48, %dma_start3A_55] : memref<327680x128xf32, #tpu.memory_space<hbm>> -> memref<128x128xf32, #tpu.memory_space<hbm>>
        %dma_start3A_57 = arith.constant 0 : i32
        %dma_start3A_58 = tpu.memref_slice %arg7[%add3A_48, %dma_start3A_57] : memref<327680x128xf32, #tpu.memory_space<hbm>> -> memref<128x128xf32, #tpu.memory_space<hbm>>
        tpu.enqueue_dma source(%arg12 : memref<128x128xf32, #tpu.memory_space<vmem>>) target(%dma_start3A_58 : memref<128x128xf32, #tpu.memory_space<hbm>>) target_semaphore(%run_scoped3A : memref<!tpu.dma_semaphore, #tpu.memory_space<semaphore_mem>>)
        %dma_wait3A_59 = arith.constant 0 : i32
        %dma_wait3A_60 = tpu.memref_slice %arg7[%add3A_48, %dma_wait3A_59] : memref<327680x128xf32, #tpu.memory_space<hbm>> -> memref<128x128xf32, #tpu.memory_space<hbm>>
        %dma_wait3A_61 = arith.constant 0 : i32
        %dma_wait3A_62 = tpu.memref_slice %arg7[%add3A_48, %dma_wait3A_61] : memref<327680x128xf32, #tpu.memory_space<hbm>> -> memref<128x128xf32, #tpu.memory_space<hbm>>
        tpu.wait_dma2 semaphore(%run_scoped3A : memref<!tpu.dma_semaphore, #tpu.memory_space<semaphore_mem>>) src(%arg12 : memref<128x128xf32, #tpu.memory_space<vmem>>) dst(%dma_wait3A_62 : memref<128x128xf32, #tpu.memory_space<hbm>>)
        tpu.yield
      }) : () -> ()
      %mul3A_49 = arith.constant 128 : i32
      %mul3A_50 = arith.muli %add3A_11, %mul3A_49 : i32
      %add3A_51 = arith.addi %mul3A_2, %mul3A_50 : i32
      "tpu.region"() ({
        %run_scoped3A = tpu.sem_alloc : memref<!tpu.dma_semaphore, #tpu.memory_space<semaphore_mem>>
        %dma_start3A_55 = arith.constant 0 : i32
        %dma_start3A_56 = tpu.memref_slice %arg8[%add3A_51, %dma_start3A_55] : memref<327680x128xf32, #tpu.memory_space<hbm>> -> memref<128x128xf32, #tpu.memory_space<hbm>>
        %dma_start3A_57 = arith.constant 0 : i32
        %dma_start3A_58 = tpu.memref_slice %arg8[%add3A_51, %dma_start3A_57] : memref<327680x128xf32, #tpu.memory_space<hbm>> -> memref<128x128xf32, #tpu.memory_space<hbm>>
        tpu.enqueue_dma source(%arg13 : memref<128x128xf32, #tpu.memory_space<vmem>>) target(%dma_start3A_58 : memref<128x128xf32, #tpu.memory_space<hbm>>) target_semaphore(%run_scoped3A : memref<!tpu.dma_semaphore, #tpu.memory_space<semaphore_mem>>)
        %dma_wait3A_59 = arith.constant 0 : i32
        %dma_wait3A_60 = tpu.memref_slice %arg8[%add3A_51, %dma_wait3A_59] : memref<327680x128xf32, #tpu.memory_space<hbm>> -> memref<128x128xf32, #tpu.memory_space<hbm>>
        %dma_wait3A_61 = arith.constant 0 : i32
        %dma_wait3A_62 = tpu.memref_slice %arg8[%add3A_51, %dma_wait3A_61] : memref<327680x128xf32, #tpu.memory_space<hbm>> -> memref<128x128xf32, #tpu.memory_space<hbm>>
        tpu.wait_dma2 semaphore(%run_scoped3A : memref<!tpu.dma_semaphore, #tpu.memory_space<semaphore_mem>>) src(%arg13 : memref<128x128xf32, #tpu.memory_space<vmem>>) dst(%dma_wait3A_62 : memref<128x128xf32, #tpu.memory_space<hbm>>)
        tpu.yield
      }) : () -> ()
      %mul3A_52 = arith.constant 128 : i32
      %mul3A_53 = arith.muli %add3A_11, %mul3A_52 : i32
      %add3A_54 = arith.addi %mul3A_2, %mul3A_53 : i32
      "tpu.region"() ({
        %run_scoped3A = tpu.sem_alloc : memref<!tpu.dma_semaphore, #tpu.memory_space<semaphore_mem>>
        %dma_start3A_55 = arith.constant 0 : i32
        %dma_start3A_56 = tpu.memref_slice %arg9[%add3A_54, %dma_start3A_55] : memref<327680x128xf32, #tpu.memory_space<hbm>> -> memref<128x128xf32, #tpu.memory_space<hbm>>
        %dma_start3A_57 = arith.constant 0 : i32
        %dma_start3A_58 = tpu.memref_slice %arg9[%add3A_54, %dma_start3A_57] : memref<327680x128xf32, #tpu.memory_space<hbm>> -> memref<128x128xf32, #tpu.memory_space<hbm>>
        tpu.enqueue_dma source(%arg14 : memref<128x128xf32, #tpu.memory_space<vmem>>) target(%dma_start3A_58 : memref<128x128xf32, #tpu.memory_space<hbm>>) target_semaphore(%run_scoped3A : memref<!tpu.dma_semaphore, #tpu.memory_space<semaphore_mem>>)
        %dma_wait3A_59 = arith.constant 0 : i32
        %dma_wait3A_60 = tpu.memref_slice %arg9[%add3A_54, %dma_wait3A_59] : memref<327680x128xf32, #tpu.memory_space<hbm>> -> memref<128x128xf32, #tpu.memory_space<hbm>>
        %dma_wait3A_61 = arith.constant 0 : i32
        %dma_wait3A_62 = tpu.memref_slice %arg9[%add3A_54, %dma_wait3A_61] : memref<327680x128xf32, #tpu.memory_space<hbm>> -> memref<128x128xf32, #tpu.memory_space<hbm>>
        tpu.wait_dma2 semaphore(%run_scoped3A : memref<!tpu.dma_semaphore, #tpu.memory_space<semaphore_mem>>) src(%arg14 : memref<128x128xf32, #tpu.memory_space<vmem>>) dst(%dma_wait3A_62 : memref<128x128xf32, #tpu.memory_space<hbm>>)
        tpu.yield
      }) : () -> ()
    }
    %scan3A_6 = arith.constant 80 : i32
    return
  }
}

#map = affine_map<(d0, d1) -> (0, 0)>
#map1 = affine_map<(d0, d1) -> (0, 0, 0, 0)>
#map2 = affine_map<(d0, d1) -> (0, 0, 0)>
module attributes {stable_mosaic.version = 14 : i64} {
  func.func @k(%arg0: i32, %arg1: i32, %arg2: memref<327680x128xf32, #tpu.memory_space<hbm>>, %arg3: memref<327680x128xf32, #tpu.memory_space<hbm>>, %arg4: memref<2x16x80x128xi32, #tpu.memory_space<hbm>>, %arg5: memref<10240x128xf32, #tpu.memory_space<hbm>>, %arg6: memref<2x10240x128xf32, #tpu.memory_space<hbm>>, %arg7: memref<2x10240x128xf32, #tpu.memory_space<hbm>>, %arg8: memref<80x128xi32, #tpu.memory_space<vmem>>, %arg9: memref<128x128xf32, #tpu.memory_space<vmem>>, %arg10: memref<10240x128xf32, #tpu.memory_space<vmem_shared>>) attributes {dimension_semantics = [#tpu.dimension_semantics<core_parallel>, #tpu.dimension_semantics<subcore_parallel>], iteration_bounds = array<i64: 2, 16>, scalar_prefetch = 0 : i64, scratch_operands = 3 : i64, tpu.core_type = #tpu.core_type<sc_vector_subcore>, window_params = [{transform_indices = #map}, {transform_indices = #map}, {transform_indices = #map1}, {transform_indices = #map}, {transform_indices = #map2}, {transform_indices = #map2}]} {
    %mul3A = arith.constant 640 : i32
    %mul3A_0 = arith.muli %arg1, %mul3A : i32
    %mul3A_1 = arith.constant 640 : i32
    %mul3A_2 = arith.muli %arg1, %mul3A_1 : i32
    "tpu.region"() ({
      %run_scoped3A = tpu.sem_alloc : memref<!tpu.dma_semaphore, #tpu.memory_space<semaphore_mem>>
      %dma_start3A = arith.constant 0 : i32
      %dma_start3A_31 = tpu.memref_slice %arg10[%mul3A_2, %dma_start3A] : memref<10240x128xf32, #tpu.memory_space<vmem_shared>> -> memref<640x128xf32, #tpu.memory_space<vmem_shared>>
      %dma_start3A_32 = arith.constant 0 : i32
      %dma_start3A_33 = tpu.memref_slice %arg5[%mul3A_0, %dma_start3A_32] : memref<10240x128xf32, #tpu.memory_space<hbm>> -> memref<640x128xf32, #tpu.memory_space<hbm>>
      tpu.enqueue_dma source(%dma_start3A_33 : memref<640x128xf32, #tpu.memory_space<hbm>>) target(%dma_start3A_31 : memref<640x128xf32, #tpu.memory_space<vmem_shared>>) target_semaphore(%run_scoped3A : memref<!tpu.dma_semaphore, #tpu.memory_space<semaphore_mem>>)
      %dma_wait3A = arith.constant 0 : i32
      %dma_wait3A_34 = tpu.memref_slice %arg10[%mul3A_2, %dma_wait3A] : memref<10240x128xf32, #tpu.memory_space<vmem_shared>> -> memref<640x128xf32, #tpu.memory_space<vmem_shared>>
      %dma_wait3A_35 = arith.constant 0 : i32
      %dma_wait3A_36 = tpu.memref_slice %arg5[%mul3A_0, %dma_wait3A_35] : memref<10240x128xf32, #tpu.memory_space<hbm>> -> memref<640x128xf32, #tpu.memory_space<hbm>>
      tpu.wait_dma2 semaphore(%run_scoped3A : memref<!tpu.dma_semaphore, #tpu.memory_space<semaphore_mem>>) src(%dma_wait3A_36 : memref<640x128xf32, #tpu.memory_space<hbm>>) dst(%dma_wait3A_34 : memref<640x128xf32, #tpu.memory_space<vmem_shared>>)
      tpu.yield
    }) : () -> ()
    "tpu.region"() ({
      %run_scoped3A = tpu.sem_alloc : memref<!tpu.dma_semaphore, #tpu.memory_space<semaphore_mem>>
      %dma_start3A = arith.constant 0 : i32
      %dma_start3A_31 = arith.constant 0 : i32
      %dma_start3A_32 = tpu.memref_slice %arg4[%arg0, %arg1, %dma_start3A, %dma_start3A_31] : memref<2x16x80x128xi32, #tpu.memory_space<hbm>> -> memref<1x1x80x128xi32, #tpu.memory_space<hbm>>
      %dma_start3A_33 = tpu.memref_squeeze %dma_start3A_32 : memref<1x1x80x128xi32, #tpu.memory_space<hbm>> -> memref<80x128xi32, #tpu.memory_space<hbm>>
      %dma_start3A_34 = arith.constant 0 : i32
      %dma_start3A_35 = arith.constant 0 : i32
      %dma_start3A_36 = tpu.memref_slice %arg4[%arg0, %arg1, %dma_start3A_34, %dma_start3A_35] : memref<2x16x80x128xi32, #tpu.memory_space<hbm>> -> memref<1x1x80x128xi32, #tpu.memory_space<hbm>>
      %dma_start3A_37 = tpu.memref_squeeze %dma_start3A_36 : memref<1x1x80x128xi32, #tpu.memory_space<hbm>> -> memref<80x128xi32, #tpu.memory_space<hbm>>
      tpu.enqueue_dma source(%dma_start3A_37 : memref<80x128xi32, #tpu.memory_space<hbm>>) target(%arg8 : memref<80x128xi32, #tpu.memory_space<vmem>>) target_semaphore(%run_scoped3A : memref<!tpu.dma_semaphore, #tpu.memory_space<semaphore_mem>>)
      %dma_wait3A = arith.constant 0 : i32
      %dma_wait3A_38 = arith.constant 0 : i32
      %dma_wait3A_39 = tpu.memref_slice %arg4[%arg0, %arg1, %dma_wait3A, %dma_wait3A_38] : memref<2x16x80x128xi32, #tpu.memory_space<hbm>> -> memref<1x1x80x128xi32, #tpu.memory_space<hbm>>
      %dma_wait3A_40 = tpu.memref_squeeze %dma_wait3A_39 : memref<1x1x80x128xi32, #tpu.memory_space<hbm>> -> memref<80x128xi32, #tpu.memory_space<hbm>>
      %dma_wait3A_41 = arith.constant 0 : i32
      %dma_wait3A_42 = arith.constant 0 : i32
      %dma_wait3A_43 = tpu.memref_slice %arg4[%arg0, %arg1, %dma_wait3A_41, %dma_wait3A_42] : memref<2x16x80x128xi32, #tpu.memory_space<hbm>> -> memref<1x1x80x128xi32, #tpu.memory_space<hbm>>
      %dma_wait3A_44 = tpu.memref_squeeze %dma_wait3A_43 : memref<1x1x80x128xi32, #tpu.memory_space<hbm>> -> memref<80x128xi32, #tpu.memory_space<hbm>>
      tpu.wait_dma2 semaphore(%run_scoped3A : memref<!tpu.dma_semaphore, #tpu.memory_space<semaphore_mem>>) src(%dma_wait3A_44 : memref<80x128xi32, #tpu.memory_space<hbm>>) dst(%arg8 : memref<80x128xi32, #tpu.memory_space<vmem>>)
      tpu.yield
    }) : () -> ()
    %barrier3A = arith.constant 0 : index
    tpu.barrier barrier_id(%barrier3A)
    %mul3A_3 = arith.constant 16 : i32
    %mul3A_4 = arith.muli %arg0, %mul3A_3 : i32
    %add3A = arith.addi %mul3A_4, %arg1 : i32
    %mul3A_5 = arith.constant 10240 : i32
    %mul3A_6 = arith.muli %add3A, %mul3A_5 : i32
    %scan3A = arith.constant 0 : i32
    %scan3A_7 = arith.constant 80 : i32
    %scan3A_8 = arith.addi %scan3A, %scan3A_7 : i32
    %scan3A_9 = arith.constant 1 : i32
    scf.for %scan3A_31 = %scan3A to %scan3A_8 step %scan3A_9  : i32 {
      %mul3A_32 = arith.constant 1 : i32
      %mul3A_33 = arith.muli %scan3A_31, %mul3A_32 : i32
      %add3A_34 = arith.constant 0 : i32
      %add3A_35 = arith.addi %add3A_34, %mul3A_33 : i32
      %mul3A_36 = arith.constant 128 : i32
      %mul3A_37 = arith.muli %add3A_35, %mul3A_36 : i32
      %add3A_38 = arith.addi %mul3A_6, %mul3A_37 : i32
      "tpu.region"() ({
        %run_scoped3A = tpu.sem_alloc : memref<!tpu.dma_semaphore, #tpu.memory_space<semaphore_mem>>
        %dma_start3A = arith.constant 0 : i32
        %dma_start3A_39 = tpu.memref_slice %arg2[%add3A_38, %dma_start3A] : memref<327680x128xf32, #tpu.memory_space<hbm>> -> memref<128x128xf32, #tpu.memory_space<hbm>>
        %dma_start3A_40 = arith.constant 0 : i32
        %dma_start3A_41 = tpu.memref_slice %arg2[%add3A_38, %dma_start3A_40] : memref<327680x128xf32, #tpu.memory_space<hbm>> -> memref<128x128xf32, #tpu.memory_space<hbm>>
        tpu.enqueue_dma source(%dma_start3A_41 : memref<128x128xf32, #tpu.memory_space<hbm>>) target(%arg9 : memref<128x128xf32, #tpu.memory_space<vmem>>) target_semaphore(%run_scoped3A : memref<!tpu.dma_semaphore, #tpu.memory_space<semaphore_mem>>)
        %dma_wait3A = arith.constant 0 : i32
        %dma_wait3A_42 = tpu.memref_slice %arg2[%add3A_38, %dma_wait3A] : memref<327680x128xf32, #tpu.memory_space<hbm>> -> memref<128x128xf32, #tpu.memory_space<hbm>>
        %dma_wait3A_43 = arith.constant 0 : i32
        %dma_wait3A_44 = tpu.memref_slice %arg2[%add3A_38, %dma_wait3A_43] : memref<327680x128xf32, #tpu.memory_space<hbm>> -> memref<128x128xf32, #tpu.memory_space<hbm>>
        tpu.wait_dma2 semaphore(%run_scoped3A : memref<!tpu.dma_semaphore, #tpu.memory_space<semaphore_mem>>) src(%dma_wait3A_44 : memref<128x128xf32, #tpu.memory_space<hbm>>) dst(%arg9 : memref<128x128xf32, #tpu.memory_space<vmem>>)
        tpu.yield
      }) : () -> ()
      "tpu.region"() ({
        %run_scoped3A = tpu.sem_alloc : memref<!tpu.dma_semaphore, #tpu.memory_space<semaphore_mem>>
        %dma_start3A = arith.constant 0 : i32
        %dma_start3A_39 = tpu.memref_slice %arg8[%add3A_35, %dma_start3A] : memref<80x128xi32, #tpu.memory_space<vmem>> -> memref<1x128xi32, #tpu.memory_space<vmem>>
        %dma_start3A_40 = tpu.memref_squeeze %dma_start3A_39 : memref<1x128xi32, #tpu.memory_space<vmem>> -> memref<128xi32, #tpu.memory_space<vmem>>
        %dma_start3A_41 = arith.constant 0 : i32
        %dma_start3A_42 = arith.constant 0 : i32
        %dma_start3A_43 = tpu.memref_slice %arg10[%dma_start3A_41, %dma_start3A_42] : memref<10240x128xf32, #tpu.memory_space<vmem_shared>> -> memref<10240x128xf32, #tpu.memory_space<vmem_shared>>
        tpu.enqueue_indirect_dma source(%arg9 : memref<128x128xf32, #tpu.memory_space<vmem>>) target(%dma_start3A_43 : memref<10240x128xf32, #tpu.memory_space<vmem_shared>>) offsets(%dma_start3A_40 : memref<128xi32, #tpu.memory_space<vmem>>) semaphore(%run_scoped3A : memref<!tpu.dma_semaphore, #tpu.memory_space<semaphore_mem>>) {add = true}
        %dma_wait3A = arith.constant 0 : i32
        %dma_wait3A_44 = tpu.memref_slice %arg8[%add3A_35, %dma_wait3A] : memref<80x128xi32, #tpu.memory_space<vmem>> -> memref<1x128xi32, #tpu.memory_space<vmem>>
        %dma_wait3A_45 = tpu.memref_squeeze %dma_wait3A_44 : memref<1x128xi32, #tpu.memory_space<vmem>> -> memref<128xi32, #tpu.memory_space<vmem>>
        %dma_wait3A_46 = arith.constant 0 : i32
        %dma_wait3A_47 = arith.constant 0 : i32
        %dma_wait3A_48 = tpu.memref_slice %arg10[%dma_wait3A_46, %dma_wait3A_47] : memref<10240x128xf32, #tpu.memory_space<vmem_shared>> -> memref<10240x128xf32, #tpu.memory_space<vmem_shared>>
        tpu.wait_indirect_dma semaphore(%run_scoped3A : memref<!tpu.dma_semaphore, #tpu.memory_space<semaphore_mem>>) src(%arg9 : memref<128x128xf32, #tpu.memory_space<vmem>>) dst(%dma_wait3A_48 : memref<10240x128xf32, #tpu.memory_space<vmem_shared>>)
        tpu.yield
      }) : () -> ()
    }
    %scan3A_10 = arith.constant 80 : i32
    %barrier3A_11 = arith.constant 0 : index
    tpu.barrier barrier_id(%barrier3A_11)
    %mul3A_12 = arith.constant 640 : i32
    %mul3A_13 = arith.muli %arg1, %mul3A_12 : i32
    %mul3A_14 = arith.constant 640 : i32
    %mul3A_15 = arith.muli %arg1, %mul3A_14 : i32
    "tpu.region"() ({
      %run_scoped3A = tpu.sem_alloc : memref<!tpu.dma_semaphore, #tpu.memory_space<semaphore_mem>>
      %dma_start3A = arith.constant 0 : i32
      %dma_start3A_31 = tpu.memref_slice %arg6[%arg0, %mul3A_15, %dma_start3A] : memref<2x10240x128xf32, #tpu.memory_space<hbm>> -> memref<1x640x128xf32, #tpu.memory_space<hbm>>
      %dma_start3A_32 = tpu.memref_squeeze %dma_start3A_31 : memref<1x640x128xf32, #tpu.memory_space<hbm>> -> memref<640x128xf32, #tpu.memory_space<hbm>>
      %dma_start3A_33 = arith.constant 0 : i32
      %dma_start3A_34 = tpu.memref_slice %arg10[%mul3A_13, %dma_start3A_33] : memref<10240x128xf32, #tpu.memory_space<vmem_shared>> -> memref<640x128xf32, #tpu.memory_space<vmem_shared>>
      tpu.enqueue_dma source(%dma_start3A_34 : memref<640x128xf32, #tpu.memory_space<vmem_shared>>) target(%dma_start3A_32 : memref<640x128xf32, #tpu.memory_space<hbm>>) target_semaphore(%run_scoped3A : memref<!tpu.dma_semaphore, #tpu.memory_space<semaphore_mem>>)
      %dma_wait3A = arith.constant 0 : i32
      %dma_wait3A_35 = tpu.memref_slice %arg6[%arg0, %mul3A_15, %dma_wait3A] : memref<2x10240x128xf32, #tpu.memory_space<hbm>> -> memref<1x640x128xf32, #tpu.memory_space<hbm>>
      %dma_wait3A_36 = tpu.memref_squeeze %dma_wait3A_35 : memref<1x640x128xf32, #tpu.memory_space<hbm>> -> memref<640x128xf32, #tpu.memory_space<hbm>>
      %dma_wait3A_37 = arith.constant 0 : i32
      %dma_wait3A_38 = tpu.memref_slice %arg10[%mul3A_13, %dma_wait3A_37] : memref<10240x128xf32, #tpu.memory_space<vmem_shared>> -> memref<640x128xf32, #tpu.memory_space<vmem_shared>>
      tpu.wait_dma2 semaphore(%run_scoped3A : memref<!tpu.dma_semaphore, #tpu.memory_space<semaphore_mem>>) src(%dma_wait3A_38 : memref<640x128xf32, #tpu.memory_space<vmem_shared>>) dst(%dma_wait3A_36 : memref<640x128xf32, #tpu.memory_space<hbm>>)
      tpu.yield
    }) : () -> ()
    %mul3A_16 = arith.constant 640 : i32
    %mul3A_17 = arith.muli %arg1, %mul3A_16 : i32
    %mul3A_18 = arith.constant 640 : i32
    %mul3A_19 = arith.muli %arg1, %mul3A_18 : i32
    "tpu.region"() ({
      %run_scoped3A = tpu.sem_alloc : memref<!tpu.dma_semaphore, #tpu.memory_space<semaphore_mem>>
      %dma_start3A = arith.constant 0 : i32
      %dma_start3A_31 = tpu.memref_slice %arg10[%mul3A_19, %dma_start3A] : memref<10240x128xf32, #tpu.memory_space<vmem_shared>> -> memref<640x128xf32, #tpu.memory_space<vmem_shared>>
      %dma_start3A_32 = arith.constant 0 : i32
      %dma_start3A_33 = tpu.memref_slice %arg5[%mul3A_17, %dma_start3A_32] : memref<10240x128xf32, #tpu.memory_space<hbm>> -> memref<640x128xf32, #tpu.memory_space<hbm>>
      tpu.enqueue_dma source(%dma_start3A_33 : memref<640x128xf32, #tpu.memory_space<hbm>>) target(%dma_start3A_31 : memref<640x128xf32, #tpu.memory_space<vmem_shared>>) target_semaphore(%run_scoped3A : memref<!tpu.dma_semaphore, #tpu.memory_space<semaphore_mem>>)
      %dma_wait3A = arith.constant 0 : i32
      %dma_wait3A_34 = tpu.memref_slice %arg10[%mul3A_19, %dma_wait3A] : memref<10240x128xf32, #tpu.memory_space<vmem_shared>> -> memref<640x128xf32, #tpu.memory_space<vmem_shared>>
      %dma_wait3A_35 = arith.constant 0 : i32
      %dma_wait3A_36 = tpu.memref_slice %arg5[%mul3A_17, %dma_wait3A_35] : memref<10240x128xf32, #tpu.memory_space<hbm>> -> memref<640x128xf32, #tpu.memory_space<hbm>>
      tpu.wait_dma2 semaphore(%run_scoped3A : memref<!tpu.dma_semaphore, #tpu.memory_space<semaphore_mem>>) src(%dma_wait3A_36 : memref<640x128xf32, #tpu.memory_space<hbm>>) dst(%dma_wait3A_34 : memref<640x128xf32, #tpu.memory_space<vmem_shared>>)
      tpu.yield
    }) : () -> ()
    %barrier3A_20 = arith.constant 0 : index
    tpu.barrier barrier_id(%barrier3A_20)
    %scan3A_21 = arith.constant 0 : i32
    %scan3A_22 = arith.constant 80 : i32
    %scan3A_23 = arith.addi %scan3A_21, %scan3A_22 : i32
    %scan3A_24 = arith.constant 1 : i32
    scf.for %scan3A_31 = %scan3A_21 to %scan3A_23 step %scan3A_24  : i32 {
      %mul3A_32 = arith.constant 1 : i32
      %mul3A_33 = arith.muli %scan3A_31, %mul3A_32 : i32
      %add3A_34 = arith.constant 0 : i32
      %add3A_35 = arith.addi %add3A_34, %mul3A_33 : i32
      %mul3A_36 = arith.constant 128 : i32
      %mul3A_37 = arith.muli %add3A_35, %mul3A_36 : i32
      %add3A_38 = arith.addi %mul3A_6, %mul3A_37 : i32
      "tpu.region"() ({
        %run_scoped3A = tpu.sem_alloc : memref<!tpu.dma_semaphore, #tpu.memory_space<semaphore_mem>>
        %dma_start3A = arith.constant 0 : i32
        %dma_start3A_39 = tpu.memref_slice %arg3[%add3A_38, %dma_start3A] : memref<327680x128xf32, #tpu.memory_space<hbm>> -> memref<128x128xf32, #tpu.memory_space<hbm>>
        %dma_start3A_40 = arith.constant 0 : i32
        %dma_start3A_41 = tpu.memref_slice %arg3[%add3A_38, %dma_start3A_40] : memref<327680x128xf32, #tpu.memory_space<hbm>> -> memref<128x128xf32, #tpu.memory_space<hbm>>
        tpu.enqueue_dma source(%dma_start3A_41 : memref<128x128xf32, #tpu.memory_space<hbm>>) target(%arg9 : memref<128x128xf32, #tpu.memory_space<vmem>>) target_semaphore(%run_scoped3A : memref<!tpu.dma_semaphore, #tpu.memory_space<semaphore_mem>>)
        %dma_wait3A = arith.constant 0 : i32
        %dma_wait3A_42 = tpu.memref_slice %arg3[%add3A_38, %dma_wait3A] : memref<327680x128xf32, #tpu.memory_space<hbm>> -> memref<128x128xf32, #tpu.memory_space<hbm>>
        %dma_wait3A_43 = arith.constant 0 : i32
        %dma_wait3A_44 = tpu.memref_slice %arg3[%add3A_38, %dma_wait3A_43] : memref<327680x128xf32, #tpu.memory_space<hbm>> -> memref<128x128xf32, #tpu.memory_space<hbm>>
        tpu.wait_dma2 semaphore(%run_scoped3A : memref<!tpu.dma_semaphore, #tpu.memory_space<semaphore_mem>>) src(%dma_wait3A_44 : memref<128x128xf32, #tpu.memory_space<hbm>>) dst(%arg9 : memref<128x128xf32, #tpu.memory_space<vmem>>)
        tpu.yield
      }) : () -> ()
      "tpu.region"() ({
        %run_scoped3A = tpu.sem_alloc : memref<!tpu.dma_semaphore, #tpu.memory_space<semaphore_mem>>
        %dma_start3A = arith.constant 0 : i32
        %dma_start3A_39 = tpu.memref_slice %arg8[%add3A_35, %dma_start3A] : memref<80x128xi32, #tpu.memory_space<vmem>> -> memref<1x128xi32, #tpu.memory_space<vmem>>
        %dma_start3A_40 = tpu.memref_squeeze %dma_start3A_39 : memref<1x128xi32, #tpu.memory_space<vmem>> -> memref<128xi32, #tpu.memory_space<vmem>>
        %dma_start3A_41 = arith.constant 0 : i32
        %dma_start3A_42 = arith.constant 0 : i32
        %dma_start3A_43 = tpu.memref_slice %arg10[%dma_start3A_41, %dma_start3A_42] : memref<10240x128xf32, #tpu.memory_space<vmem_shared>> -> memref<10240x128xf32, #tpu.memory_space<vmem_shared>>
        tpu.enqueue_indirect_dma source(%arg9 : memref<128x128xf32, #tpu.memory_space<vmem>>) target(%dma_start3A_43 : memref<10240x128xf32, #tpu.memory_space<vmem_shared>>) offsets(%dma_start3A_40 : memref<128xi32, #tpu.memory_space<vmem>>) semaphore(%run_scoped3A : memref<!tpu.dma_semaphore, #tpu.memory_space<semaphore_mem>>) {add = true}
        %dma_wait3A = arith.constant 0 : i32
        %dma_wait3A_44 = tpu.memref_slice %arg8[%add3A_35, %dma_wait3A] : memref<80x128xi32, #tpu.memory_space<vmem>> -> memref<1x128xi32, #tpu.memory_space<vmem>>
        %dma_wait3A_45 = tpu.memref_squeeze %dma_wait3A_44 : memref<1x128xi32, #tpu.memory_space<vmem>> -> memref<128xi32, #tpu.memory_space<vmem>>
        %dma_wait3A_46 = arith.constant 0 : i32
        %dma_wait3A_47 = arith.constant 0 : i32
        %dma_wait3A_48 = tpu.memref_slice %arg10[%dma_wait3A_46, %dma_wait3A_47] : memref<10240x128xf32, #tpu.memory_space<vmem_shared>> -> memref<10240x128xf32, #tpu.memory_space<vmem_shared>>
        tpu.wait_indirect_dma semaphore(%run_scoped3A : memref<!tpu.dma_semaphore, #tpu.memory_space<semaphore_mem>>) src(%arg9 : memref<128x128xf32, #tpu.memory_space<vmem>>) dst(%dma_wait3A_48 : memref<10240x128xf32, #tpu.memory_space<vmem_shared>>)
        tpu.yield
      }) : () -> ()
    }
    %scan3A_25 = arith.constant 80 : i32
    %barrier3A_26 = arith.constant 0 : index
    tpu.barrier barrier_id(%barrier3A_26)
    %mul3A_27 = arith.constant 640 : i32
    %mul3A_28 = arith.muli %arg1, %mul3A_27 : i32
    %mul3A_29 = arith.constant 640 : i32
    %mul3A_30 = arith.muli %arg1, %mul3A_29 : i32
    "tpu.region"() ({
      %run_scoped3A = tpu.sem_alloc : memref<!tpu.dma_semaphore, #tpu.memory_space<semaphore_mem>>
      %dma_start3A = arith.constant 0 : i32
      %dma_start3A_31 = tpu.memref_slice %arg7[%arg0, %mul3A_30, %dma_start3A] : memref<2x10240x128xf32, #tpu.memory_space<hbm>> -> memref<1x640x128xf32, #tpu.memory_space<hbm>>
      %dma_start3A_32 = tpu.memref_squeeze %dma_start3A_31 : memref<1x640x128xf32, #tpu.memory_space<hbm>> -> memref<640x128xf32, #tpu.memory_space<hbm>>
      %dma_start3A_33 = arith.constant 0 : i32
      %dma_start3A_34 = tpu.memref_slice %arg10[%mul3A_28, %dma_start3A_33] : memref<10240x128xf32, #tpu.memory_space<vmem_shared>> -> memref<640x128xf32, #tpu.memory_space<vmem_shared>>
      tpu.enqueue_dma source(%dma_start3A_34 : memref<640x128xf32, #tpu.memory_space<vmem_shared>>) target(%dma_start3A_32 : memref<640x128xf32, #tpu.memory_space<hbm>>) target_semaphore(%run_scoped3A : memref<!tpu.dma_semaphore, #tpu.memory_space<semaphore_mem>>)
      %dma_wait3A = arith.constant 0 : i32
      %dma_wait3A_35 = tpu.memref_slice %arg7[%arg0, %mul3A_30, %dma_wait3A] : memref<2x10240x128xf32, #tpu.memory_space<hbm>> -> memref<1x640x128xf32, #tpu.memory_space<hbm>>
      %dma_wait3A_36 = tpu.memref_squeeze %dma_wait3A_35 : memref<1x640x128xf32, #tpu.memory_space<hbm>> -> memref<640x128xf32, #tpu.memory_space<hbm>>
      %dma_wait3A_37 = arith.constant 0 : i32
      %dma_wait3A_38 = tpu.memref_slice %arg10[%mul3A_28, %dma_wait3A_37] : memref<10240x128xf32, #tpu.memory_space<vmem_shared>> -> memref<640x128xf32, #tpu.memory_space<vmem_shared>>
      tpu.wait_dma2 semaphore(%run_scoped3A : memref<!tpu.dma_semaphore, #tpu.memory_space<semaphore_mem>>) src(%dma_wait3A_38 : memref<640x128xf32, #tpu.memory_space<vmem_shared>>) dst(%dma_wait3A_36 : memref<640x128xf32, #tpu.memory_space<hbm>>)
      tpu.yield
    }) : () -> ()
    return
  }
}

module attributes {stable_mosaic.version = 14 : i64} {
  func.func @_proj_body(%arg0: i32, %arg1: memref<400x128xf32, #tpu.memory_space<vmem>>, %arg2: memref<128x512xf32, #tpu.memory_space<vmem>>, %arg3: memref<1x512xf32, #tpu.memory_space<vmem>>, %arg4: memref<400x128xf32, #tpu.memory_space<vmem>>, %arg5: memref<400x128xf32, #tpu.memory_space<vmem>>, %arg6: memref<400x128xf32, #tpu.memory_space<vmem>>, %arg7: memref<400x128xf32, #tpu.memory_space<vmem>>) attributes {dimension_semantics = [#tpu.dimension_semantics<arbitrary>], iteration_bounds = array<i64: 25>, scalar_prefetch = 0 : i64, scratch_operands = 0 : i64, tpu.core_type = #tpu.core_type<tc>, window_params = [{transform_indices = @transform_0, window_bounds = array<i64: 400, 128>}, {pipeline_mode = #tpu.pipeline_mode<synchronous>, transform_indices = @transform_1, window_bounds = array<i64: 128, 512>}, {pipeline_mode = #tpu.pipeline_mode<synchronous>, transform_indices = @transform_2, window_bounds = array<i64: 1, 512>}, {transform_indices = @transform_3, window_bounds = array<i64: 400, 128>}, {transform_indices = @transform_4, window_bounds = array<i64: 400, 128>}, {transform_indices = @transform_5, window_bounds = array<i64: 400, 128>}, {transform_indices = @transform_6, window_bounds = array<i64: 400, 128>}]} {
    %get3A = arith.constant 0 : index
    %get3A_0 = arith.constant 0 : index
    %get3A_1 = vector.load %arg1[%get3A, %get3A_0] : memref<400x128xf32, #tpu.memory_space<vmem>>, vector<400x128xf32>
    %get3A_2 = arith.constant 0 : index
    %get3A_3 = arith.constant 0 : index
    %get3A_4 = vector.load %arg2[%get3A_2, %get3A_3] : memref<128x512xf32, #tpu.memory_space<vmem>>, vector<128x512xf32>
    %dot_general3A = arith.constant dense<0.000000e+00> : vector<400x512xf32>
    %dot_general3A_5 = tpu.matmul %get3A_1, %get3A_4, %dot_general3A {dimension_numbers = #tpu.dot_dimension_numbers<[1], [0], [0], [1], [0, 0, 1, 1], [], []>, transpose_lhs_hint = false} : vector<400x128xf32>, vector<128x512xf32>, vector<400x512xf32> -> vector<400x512xf32>
    %get3A_6 = arith.constant 0 : index
    %get3A_7 = arith.constant 0 : index
    %get3A_8 = vector.load %arg3[%get3A_6, %get3A_7] : memref<1x512xf32, #tpu.memory_space<vmem>>, vector<1x512xf32>
    %add3A = vector.broadcast %get3A_8 : vector<1x512xf32> to vector<400x512xf32>
    %add3A_9 = arith.addf %dot_general3A_5, %add3A : vector<400x512xf32>
    %slice3A = vector.extract_strided_slice %add3A_9 {offsets = [0, 0], sizes = [400, 128], strides = [1, 1]} : vector<400x512xf32> to vector<400x128xf32>
    %swap3A = arith.constant 0 : index
    %swap3A_10 = arith.constant 0 : index
    %swap3A_11 = vector.load %arg4[%swap3A, %swap3A_10] : memref<400x128xf32, #tpu.memory_space<vmem>>, vector<400x128xf32>
    tpu.vector_store %arg4[%swap3A, %swap3A_10], %slice3A {strides = array<i32>} : memref<400x128xf32, #tpu.memory_space<vmem>>, vector<400x128xf32>,
    %slice3A_12 = vector.extract_strided_slice %add3A_9 {offsets = [0, 128], sizes = [400, 128], strides = [1, 1]} : vector<400x512xf32> to vector<400x128xf32>
    %swap3A_13 = arith.constant 0 : index
    %swap3A_14 = arith.constant 0 : index
    %swap3A_15 = vector.load %arg5[%swap3A_13, %swap3A_14] : memref<400x128xf32, #tpu.memory_space<vmem>>, vector<400x128xf32>
    tpu.vector_store %arg5[%swap3A_13, %swap3A_14], %slice3A_12 {strides = array<i32>} : memref<400x128xf32, #tpu.memory_space<vmem>>, vector<400x128xf32>,
    %slice3A_16 = vector.extract_strided_slice %add3A_9 {offsets = [0, 256], sizes = [400, 128], strides = [1, 1]} : vector<400x512xf32> to vector<400x128xf32>
    %swap3A_17 = arith.constant 0 : index
    %swap3A_18 = arith.constant 0 : index
    %swap3A_19 = vector.load %arg6[%swap3A_17, %swap3A_18] : memref<400x128xf32, #tpu.memory_space<vmem>>, vector<400x128xf32>
    tpu.vector_store %arg6[%swap3A_17, %swap3A_18], %slice3A_16 {strides = array<i32>} : memref<400x128xf32, #tpu.memory_space<vmem>>, vector<400x128xf32>,
    %slice3A_20 = vector.extract_strided_slice %add3A_9 {offsets = [0, 384], sizes = [400, 128], strides = [1, 1]} : vector<400x512xf32> to vector<400x128xf32>
    %swap3A_21 = arith.constant 0 : index
    %swap3A_22 = arith.constant 0 : index
    %swap3A_23 = vector.load %arg7[%swap3A_21, %swap3A_22] : memref<400x128xf32, #tpu.memory_space<vmem>>, vector<400x128xf32>
    tpu.vector_store %arg7[%swap3A_21, %swap3A_22], %slice3A_20 {strides = array<i32>} : memref<400x128xf32, #tpu.memory_space<vmem>>, vector<400x128xf32>,
    return
  }
  func.func @transform_0(%arg0: i32) -> (i32, i32) {
    %c0_i32 = arith.constant 0 : i32
    %c0_i32_0 = arith.constant 0 : i32
    return %arg0, %c0_i32 : i32, i32
  }
  func.func @transform_1(%arg0: i32) -> (i32, i32) {
    %c0_i32 = arith.constant 0 : i32
    %c0_i32_0 = arith.constant 0 : i32
    %c0_i32_1 = arith.constant 0 : i32
    return %c0_i32, %c0_i32_0 : i32, i32
  }
  func.func @transform_2(%arg0: i32) -> (i32, i32) {
    %c0_i32 = arith.constant 0 : i32
    %c0_i32_0 = arith.constant 0 : i32
    %c0_i32_1 = arith.constant 0 : i32
    return %c0_i32, %c0_i32_0 : i32, i32
  }
  func.func @transform_3(%arg0: i32) -> (i32, i32) {
    %c0_i32 = arith.constant 0 : i32
    %c0_i32_0 = arith.constant 0 : i32
    return %arg0, %c0_i32 : i32, i32
  }
  func.func @transform_4(%arg0: i32) -> (i32, i32) {
    %c0_i32 = arith.constant 0 : i32
    %c0_i32_0 = arith.constant 0 : i32
    return %arg0, %c0_i32 : i32, i32
  }
  func.func @transform_5(%arg0: i32) -> (i32, i32) {
    %c0_i32 = arith.constant 0 : i32
    %c0_i32_0 = arith.constant 0 : i32
    return %arg0, %c0_i32 : i32, i32
  }
  func.func @transform_6(%arg0: i32) -> (i32, i32) {
    %c0_i32 = arith.constant 0 : i32
    %c0_i32_0 = arith.constant 0 : i32
    return %arg0, %c0_i32 : i32, i32
  }
}

module attributes {stable_mosaic.version = 14 : i64} {
  func.func @_edge_body(%arg0: i32, %arg1: memref<512x16xf32, #tpu.memory_space<vmem>>, %arg2: memref<512x128xf32, #tpu.memory_space<vmem>>, %arg3: memref<512x128xf32, #tpu.memory_space<vmem>>, %arg4: memref<512x128xf32, #tpu.memory_space<vmem>>, %arg5: memref<16x128xf32, #tpu.memory_space<vmem>>, %arg6: memref<1x128xf32, #tpu.memory_space<vmem>>, %arg7: memref<128x128xf32, #tpu.memory_space<vmem>>, %arg8: memref<1x128xf32, #tpu.memory_space<vmem>>, %arg9: memref<128x128xf32, #tpu.memory_space<vmem>>, %arg10: memref<512x128xf32, #tpu.memory_space<vmem>>, %arg11: memref<512x128xf32, #tpu.memory_space<vmem>>) attributes {dimension_semantics = [#tpu.dimension_semantics<arbitrary>], iteration_bounds = array<i64: 640>, scalar_prefetch = 0 : i64, scratch_operands = 0 : i64, tpu.core_type = #tpu.core_type<tc>, window_params = [{transform_indices = @transform_0, window_bounds = array<i64: 512, 16>}, {transform_indices = @transform_1, window_bounds = array<i64: 512, 128>}, {transform_indices = @transform_2, window_bounds = array<i64: 512, 128>}, {transform_indices = @transform_3, window_bounds = array<i64: 512, 128>}, {pipeline_mode = #tpu.pipeline_mode<synchronous>, transform_indices = @transform_4, window_bounds = array<i64: 16, 128>}, {pipeline_mode = #tpu.pipeline_mode<synchronous>, transform_indices = @transform_5, window_bounds = array<i64: 1, 128>}, {pipeline_mode = #tpu.pipeline_mode<synchronous>, transform_indices = @transform_6, window_bounds = array<i64: 128, 128>}, {pipeline_mode = #tpu.pipeline_mode<synchronous>, transform_indices = @transform_7, window_bounds = array<i64: 1, 128>}, {pipeline_mode = #tpu.pipeline_mode<synchronous>, transform_indices = @transform_8, window_bounds = array<i64: 128, 128>}, {transform_indices = @transform_9, window_bounds = array<i64: 512, 128>}, {transform_indices = @transform_10, window_bounds = array<i64: 512, 128>}]} {
    %get3A = arith.constant 0 : index
    %get3A_0 = arith.constant 0 : index
    %get3A_1 = vector.load %arg1[%get3A, %get3A_0] : memref<512x16xf32, #tpu.memory_space<vmem>>, vector<512x16xf32>
    %get3A_2 = arith.constant 0 : index
    %get3A_3 = arith.constant 0 : index
    %get3A_4 = vector.load %arg5[%get3A_2, %get3A_3] : memref<16x128xf32, #tpu.memory_space<vmem>>, vector<16x128xf32>
    %dot_general3A = arith.constant dense<0.000000e+00> : vector<512x128xf32>
    %dot_general3A_5 = tpu.matmul %get3A_1, %get3A_4, %dot_general3A {dimension_numbers = #tpu.dot_dimension_numbers<[1], [0], [0], [1], [0, 0, 1, 1], [], []>, transpose_lhs_hint = false} : vector<512x16xf32>, vector<16x128xf32>, vector<512x128xf32> -> vector<512x128xf32>
    %get3A_6 = arith.constant 0 : index
    %get3A_7 = arith.constant 0 : index
    %get3A_8 = vector.load %arg6[%get3A_6, %get3A_7] : memref<1x128xf32, #tpu.memory_space<vmem>>, vector<1x128xf32>
    %add3A = vector.broadcast %get3A_8 : vector<1x128xf32> to vector<512x128xf32>
    %add3A_9 = arith.addf %dot_general3A_5, %add3A : vector<512x128xf32>
    %ge3A = arith.constant 0.000000e+00 : f32
    %ge3A_10 = vector.broadcast %ge3A : f32 to vector<512x128xf32>
    %ge3A_11 = arith.cmpf oge, %add3A_9, %ge3A_10 : vector<512x128xf32>
    %mul3A = arith.constant 1.500000e-01 : f32
    %mul3A_12 = vector.broadcast %mul3A : f32 to vector<512x128xf32>
    %mul3A_13 = arith.mulf %mul3A_12, %add3A_9 : vector<512x128xf32>
    %select_n3A = arith.select %ge3A_11, %add3A_9, %mul3A_13 : vector<512x128xi1>, vector<512x128xf32>
    %get3A_14 = arith.constant 0 : index
    %get3A_15 = arith.constant 0 : index
    %get3A_16 = vector.load %arg7[%get3A_14, %get3A_15] : memref<128x128xf32, #tpu.memory_space<vmem>>, vector<128x128xf32>
    %dot_general3A_17 = arith.constant dense<0.000000e+00> : vector<512x128xf32>
    %dot_general3A_18 = tpu.matmul %select_n3A, %get3A_16, %dot_general3A_17 {dimension_numbers = #tpu.dot_dimension_numbers<[1], [0], [0], [1], [0, 0, 1, 1], [], []>, transpose_lhs_hint = false} : vector<512x128xf32>, vector<128x128xf32>, vector<512x128xf32> -> vector<512x128xf32>
    %get3A_19 = arith.constant 0 : index
    %get3A_20 = arith.constant 0 : index
    %get3A_21 = vector.load %arg8[%get3A_19, %get3A_20] : memref<1x128xf32, #tpu.memory_space<vmem>>, vector<1x128xf32>
    %add3A_22 = vector.broadcast %get3A_21 : vector<1x128xf32> to vector<512x128xf32>
    %add3A_23 = arith.addf %dot_general3A_18, %add3A_22 : vector<512x128xf32>
    %get3A_24 = arith.constant 0 : index
    %get3A_25 = arith.constant 0 : index
    %get3A_26 = vector.load %arg9[%get3A_24, %get3A_25] : memref<128x128xf32, #tpu.memory_space<vmem>>, vector<128x128xf32>
    %dot_general3A_27 = arith.constant dense<0.000000e+00> : vector<512x128xf32>
    %dot_general3A_28 = tpu.matmul %add3A_23, %get3A_26, %dot_general3A_27 {dimension_numbers = #tpu.dot_dimension_numbers<[1], [0], [0], [1], [0, 0, 1, 1], [], []>, transpose_lhs_hint = false} : vector<512x128xf32>, vector<128x128xf32>, vector<512x128xf32> -> vector<512x128xf32>
    %get3A_29 = arith.constant 0 : index
    %get3A_30 = arith.constant 0 : index
    %get3A_31 = vector.load %arg4[%get3A_29, %get3A_30] : memref<512x128xf32, #tpu.memory_space<vmem>>, vector<512x128xf32>
    %get3A_32 = arith.constant 0 : index
    %get3A_33 = arith.constant 0 : index
    %get3A_34 = vector.load %arg2[%get3A_32, %get3A_33] : memref<512x128xf32, #tpu.memory_space<vmem>>, vector<512x128xf32>
    %add3A_35 = arith.addf %get3A_34, %dot_general3A_28 : vector<512x128xf32>
    %mul3A_36 = arith.mulf %get3A_31, %add3A_35 : vector<512x128xf32>
    %slice3A = vector.extract_strided_slice %mul3A_36 {offsets = [0, 0], sizes = [512, 32], strides = [1, 1]} : vector<512x128xf32> to vector<512x32xf32>
    %reduce_sum3A = arith.constant dense<0.000000e+00> : vector<512xf32>
    %reduce_sum3A_37 = vector.multi_reduction <add>, %slice3A, %reduce_sum3A [1] : vector<512x32xf32> to vector<512xf32>
    %broadcast_in_dim3A = vector.shape_cast %reduce_sum3A_37 : vector<512xf32> to vector<512x1xf32>
    %mul3A_38 = arith.constant 0.176776692 : f32
    %mul3A_39 = vector.broadcast %mul3A_38 : f32 to vector<512x1xf32>
    %mul3A_40 = arith.mulf %broadcast_in_dim3A, %mul3A_39 : vector<512x1xf32>
    %exp3A = math.exp %mul3A_40 : vector<512x1xf32>
    %slice3A_41 = vector.extract_strided_slice %mul3A_36 {offsets = [0, 32], sizes = [512, 32], strides = [1, 1]} : vector<512x128xf32> to vector<512x32xf32>
    %reduce_sum3A_42 = arith.constant dense<0.000000e+00> : vector<512xf32>
    %reduce_sum3A_43 = vector.multi_reduction <add>, %slice3A_41, %reduce_sum3A_42 [1] : vector<512x32xf32> to vector<512xf32>
    %broadcast_in_dim3A_44 = vector.shape_cast %reduce_sum3A_43 : vector<512xf32> to vector<512x1xf32>
    %mul3A_45 = arith.constant 0.176776692 : f32
    %mul3A_46 = vector.broadcast %mul3A_45 : f32 to vector<512x1xf32>
    %mul3A_47 = arith.mulf %broadcast_in_dim3A_44, %mul3A_46 : vector<512x1xf32>
    %exp3A_48 = math.exp %mul3A_47 : vector<512x1xf32>
    %slice3A_49 = vector.extract_strided_slice %mul3A_36 {offsets = [0, 64], sizes = [512, 32], strides = [1, 1]} : vector<512x128xf32> to vector<512x32xf32>
    %reduce_sum3A_50 = arith.constant dense<0.000000e+00> : vector<512xf32>
    %reduce_sum3A_51 = vector.multi_reduction <add>, %slice3A_49, %reduce_sum3A_50 [1] : vector<512x32xf32> to vector<512xf32>
    %broadcast_in_dim3A_52 = vector.shape_cast %reduce_sum3A_51 : vector<512xf32> to vector<512x1xf32>
    %mul3A_53 = arith.constant 0.176776692 : f32
    %mul3A_54 = vector.broadcast %mul3A_53 : f32 to vector<512x1xf32>
    %mul3A_55 = arith.mulf %broadcast_in_dim3A_52, %mul3A_54 : vector<512x1xf32>
    %exp3A_56 = math.exp %mul3A_55 : vector<512x1xf32>
    %slice3A_57 = vector.extract_strided_slice %mul3A_36 {offsets = [0, 96], sizes = [512, 32], strides = [1, 1]} : vector<512x128xf32> to vector<512x32xf32>
    %reduce_sum3A_58 = arith.constant dense<0.000000e+00> : vector<512xf32>
    %reduce_sum3A_59 = vector.multi_reduction <add>, %slice3A_57, %reduce_sum3A_58 [1] : vector<512x32xf32> to vector<512xf32>
    %broadcast_in_dim3A_60 = vector.shape_cast %reduce_sum3A_59 : vector<512xf32> to vector<512x1xf32>
    %mul3A_61 = arith.constant 0.176776692 : f32
    %mul3A_62 = vector.broadcast %mul3A_61 : f32 to vector<512x1xf32>
    %mul3A_63 = arith.mulf %broadcast_in_dim3A_60, %mul3A_62 : vector<512x1xf32>
    %exp3A_64 = math.exp %mul3A_63 : vector<512x1xf32>
    %broadcast_in_dim3A_65 = vector.shape_cast %exp3A : vector<512x1xf32> to vector<512x1xf32>
    %broadcast_in_dim3A_66 = vector.broadcast %broadcast_in_dim3A_65 : vector<512x1xf32> to vector<512x32xf32>
    %broadcast_in_dim3A_67 = vector.shape_cast %exp3A_48 : vector<512x1xf32> to vector<512x1xf32>
    %broadcast_in_dim3A_68 = vector.broadcast %broadcast_in_dim3A_67 : vector<512x1xf32> to vector<512x32xf32>
    %broadcast_in_dim3A_69 = vector.shape_cast %exp3A_56 : vector<512x1xf32> to vector<512x1xf32>
    %broadcast_in_dim3A_70 = vector.broadcast %broadcast_in_dim3A_69 : vector<512x1xf32> to vector<512x32xf32>
    %broadcast_in_dim3A_71 = vector.shape_cast %exp3A_64 : vector<512x1xf32> to vector<512x1xf32>
    %broadcast_in_dim3A_72 = vector.broadcast %broadcast_in_dim3A_71 : vector<512x1xf32> to vector<512x32xf32>
    %concatenate3A = tpu.concatenate %broadcast_in_dim3A_66, %broadcast_in_dim3A_68, %broadcast_in_dim3A_70, %broadcast_in_dim3A_72 in 1 : vector<512x32xf32>, vector<512x32xf32>, vector<512x32xf32>, vector<512x32xf32> -> vector<512x128xf32>
    %get3A_73 = arith.constant 0 : index
    %get3A_74 = arith.constant 0 : index
    %get3A_75 = vector.load %arg3[%get3A_73, %get3A_74] : memref<512x128xf32, #tpu.memory_space<vmem>>, vector<512x128xf32>
    %add3A_76 = arith.addf %get3A_75, %dot_general3A_28 : vector<512x128xf32>
    %mul3A_77 = arith.mulf %add3A_76, %concatenate3A : vector<512x128xf32>
    %swap3A = arith.constant 0 : index
    %swap3A_78 = arith.constant 0 : index
    %swap3A_79 = vector.load %arg10[%swap3A, %swap3A_78] : memref<512x128xf32, #tpu.memory_space<vmem>>, vector<512x128xf32>
    tpu.vector_store %arg10[%swap3A, %swap3A_78], %mul3A_77 {strides = array<i32>} : memref<512x128xf32, #tpu.memory_space<vmem>>, vector<512x128xf32>,
    %swap3A_80 = arith.constant 0 : index
    %swap3A_81 = arith.constant 0 : index
    %swap3A_82 = vector.load %arg11[%swap3A_80, %swap3A_81] : memref<512x128xf32, #tpu.memory_space<vmem>>, vector<512x128xf32>
    tpu.vector_store %arg11[%swap3A_80, %swap3A_81], %concatenate3A {strides = array<i32>} : memref<512x128xf32, #tpu.memory_space<vmem>>, vector<512x128xf32>,
    return
  }
  func.func @transform_0(%arg0: i32) -> (i32, i32) {
    %c0_i32 = arith.constant 0 : i32
    %c0_i32_0 = arith.constant 0 : i32
    return %arg0, %c0_i32 : i32, i32
  }
  func.func @transform_1(%arg0: i32) -> (i32, i32) {
    %c0_i32 = arith.constant 0 : i32
    %c0_i32_0 = arith.constant 0 : i32
    return %arg0, %c0_i32 : i32, i32
  }
  func.func @transform_2(%arg0: i32) -> (i32, i32) {
    %c0_i32 = arith.constant 0 : i32
    %c0_i32_0 = arith.constant 0 : i32
    return %arg0, %c0_i32 : i32, i32
  }
  func.func @transform_3(%arg0: i32) -> (i32, i32) {
    %c0_i32 = arith.constant 0 : i32
    %c0_i32_0 = arith.constant 0 : i32
    return %arg0, %c0_i32 : i32, i32
  }
  func.func @transform_4(%arg0: i32) -> (i32, i32) {
    %c0_i32 = arith.constant 0 : i32
    %c0_i32_0 = arith.constant 0 : i32
    %c0_i32_1 = arith.constant 0 : i32
    return %c0_i32, %c0_i32_0 : i32, i32
  }
  func.func @transform_5(%arg0: i32) -> (i32, i32) {
    %c0_i32 = arith.constant 0 : i32
    %c0_i32_0 = arith.constant 0 : i32
    %c0_i32_1 = arith.constant 0 : i32
    return %c0_i32, %c0_i32_0 : i32, i32
  }
  func.func @transform_6(%arg0: i32) -> (i32, i32) {
    %c0_i32 = arith.constant 0 : i32
    %c0_i32_0 = arith.constant 0 : i32
    %c0_i32_1 = arith.constant 0 : i32
    return %c0_i32, %c0_i32_0 : i32, i32
  }
  func.func @transform_7(%arg0: i32) -> (i32, i32) {
    %c0_i32 = arith.constant 0 : i32
    %c0_i32_0 = arith.constant 0 : i32
    %c0_i32_1 = arith.constant 0 : i32
    return %c0_i32, %c0_i32_0 : i32, i32
  }
  func.func @transform_8(%arg0: i32) -> (i32, i32) {
    %c0_i32 = arith.constant 0 : i32
    %c0_i32_0 = arith.constant 0 : i32
    %c0_i32_1 = arith.constant 0 : i32
    return %c0_i32, %c0_i32_0 : i32, i32
  }
  func.func @transform_9(%arg0: i32) -> (i32, i32) {
    %c0_i32 = arith.constant 0 : i32
    %c0_i32_0 = arith.constant 0 : i32
    return %arg0, %c0_i32 : i32, i32
  }
  func.func @transform_10(%arg0: i32) -> (i32, i32) {
    %c0_i32 = arith.constant 0 : i32
    %c0_i32_0 = arith.constant 0 : i32
    return %arg0, %c0_i32 : i32, i32
  }
}

module attributes {stable_mosaic.version = 14 : i64} {
  func.func @_final_body(%arg0: i32, %arg1: memref<400x128xf32, #tpu.memory_space<vmem>>, %arg2: memref<400x128xf32, #tpu.memory_space<vmem>>, %arg3: memref<400x128xf32, #tpu.memory_space<vmem>>, %arg4: memref<400x128xf32, #tpu.memory_space<vmem>>, %arg5: memref<400x128xf32, #tpu.memory_space<vmem>>, %arg6: memref<1x128xf32, #tpu.memory_space<vmem>>, %arg7: memref<1x128xf32, #tpu.memory_space<vmem>>, %arg8: memref<400x128xf32, #tpu.memory_space<vmem>>) attributes {dimension_semantics = [#tpu.dimension_semantics<arbitrary>], iteration_bounds = array<i64: 25>, scalar_prefetch = 0 : i64, scratch_operands = 0 : i64, tpu.core_type = #tpu.core_type<tc>, window_params = [{transform_indices = @transform_0, window_bounds = array<i64: 400, 128>}, {transform_indices = @transform_1, window_bounds = array<i64: 400, 128>}, {transform_indices = @transform_2, window_bounds = array<i64: 400, 128>}, {transform_indices = @transform_3, window_bounds = array<i64: 400, 128>}, {transform_indices = @transform_4, window_bounds = array<i64: 400, 128>}, {pipeline_mode = #tpu.pipeline_mode<synchronous>, transform_indices = @transform_5, window_bounds = array<i64: 1, 128>}, {pipeline_mode = #tpu.pipeline_mode<synchronous>, transform_indices = @transform_6, window_bounds = array<i64: 1, 128>}, {transform_indices = @transform_7, window_bounds = array<i64: 400, 128>}]} {
    %get3A = arith.constant 0 : index
    %get3A_0 = arith.constant 0 : index
    %get3A_1 = vector.load %arg1[%get3A, %get3A_0] : memref<400x128xf32, #tpu.memory_space<vmem>>, vector<400x128xf32>
    %get3A_2 = arith.constant 0 : index
    %get3A_3 = arith.constant 0 : index
    %get3A_4 = vector.load %arg2[%get3A_2, %get3A_3] : memref<400x128xf32, #tpu.memory_space<vmem>>, vector<400x128xf32>
    %add3A = arith.addf %get3A_1, %get3A_4 : vector<400x128xf32>
    %get3A_5 = arith.constant 0 : index
    %get3A_6 = arith.constant 0 : index
    %get3A_7 = vector.load %arg3[%get3A_5, %get3A_6] : memref<400x128xf32, #tpu.memory_space<vmem>>, vector<400x128xf32>
    %get3A_8 = arith.constant 0 : index
    %get3A_9 = arith.constant 0 : index
    %get3A_10 = vector.load %arg4[%get3A_8, %get3A_9] : memref<400x128xf32, #tpu.memory_space<vmem>>, vector<400x128xf32>
    %add3A_11 = arith.addf %get3A_7, %get3A_10 : vector<400x128xf32>
    %add3A_12 = arith.constant 1.000000e-16 : f32
    %add3A_13 = vector.broadcast %add3A_12 : f32 to vector<400x128xf32>
    %add3A_14 = arith.addf %add3A_11, %add3A_13 : vector<400x128xf32>
    %div3A = arith.divf %add3A, %add3A_14 : vector<400x128xf32>
    %get3A_15 = arith.constant 0 : index
    %get3A_16 = arith.constant 0 : index
    %get3A_17 = vector.load %arg5[%get3A_15, %get3A_16] : memref<400x128xf32, #tpu.memory_space<vmem>>, vector<400x128xf32>
    %get3A_18 = arith.constant 0 : index
    %get3A_19 = arith.constant 0 : index
    %get3A_20 = vector.load %arg6[%get3A_18, %get3A_19] : memref<1x128xf32, #tpu.memory_space<vmem>>, vector<1x128xf32>
    %mul3A = vector.broadcast %get3A_20 : vector<1x128xf32> to vector<400x128xf32>
    %mul3A_21 = arith.mulf %div3A, %mul3A : vector<400x128xf32>
    %get3A_22 = arith.constant 0 : index
    %get3A_23 = arith.constant 0 : index
    %get3A_24 = vector.load %arg7[%get3A_22, %get3A_23] : memref<1x128xf32, #tpu.memory_space<vmem>>, vector<1x128xf32>
    %mul3A_25 = vector.broadcast %get3A_24 : vector<1x128xf32> to vector<400x128xf32>
    %mul3A_26 = arith.mulf %get3A_17, %mul3A_25 : vector<400x128xf32>
    %add3A_27 = arith.addf %mul3A_21, %mul3A_26 : vector<400x128xf32>
    %reduce_sum3A = arith.constant dense<0.000000e+00> : vector<400xf32>
    %reduce_sum3A_28 = vector.multi_reduction <add>, %add3A_27, %reduce_sum3A [1] : vector<400x128xf32> to vector<400xf32>
    %broadcast_in_dim3A = vector.shape_cast %reduce_sum3A_28 : vector<400xf32> to vector<400x1xf32>
    %logistic3A = arith.negf %broadcast_in_dim3A : vector<400x1xf32>
    %logistic3A_29 = math.exp %logistic3A : vector<400x1xf32>
    %logistic3A_30 = arith.constant 1.000000e+00 : f32
    %logistic3A_31 = vector.broadcast %logistic3A_30 : f32 to vector<400x1xf32>
    %logistic3A_32 = arith.addf %logistic3A_31, %logistic3A_29 : vector<400x1xf32>
    %logistic3A_33 = arith.divf %logistic3A_31, %logistic3A_32 : vector<400x1xf32>
    %mul3A_34 = vector.broadcast %logistic3A_33 : vector<400x1xf32> to vector<400x128xf32>
    %mul3A_35 = arith.mulf %mul3A_34, %get3A_17 : vector<400x128xf32>
    %sub3A = arith.constant 1.000000e+00 : f32
    %sub3A_36 = vector.broadcast %sub3A : f32 to vector<400x1xf32>
    %sub3A_37 = arith.subf %sub3A_36, %logistic3A_33 : vector<400x1xf32>
    %mul3A_38 = vector.broadcast %sub3A_37 : vector<400x1xf32> to vector<400x128xf32>
    %mul3A_39 = arith.mulf %mul3A_38, %div3A : vector<400x128xf32>
    %add3A_40 = arith.addf %mul3A_35, %mul3A_39 : vector<400x128xf32>
    %swap3A = arith.constant 0 : index
    %swap3A_41 = arith.constant 0 : index
    %swap3A_42 = vector.load %arg8[%swap3A, %swap3A_41] : memref<400x128xf32, #tpu.memory_space<vmem>>, vector<400x128xf32>
    tpu.vector_store %arg8[%swap3A, %swap3A_41], %add3A_40 {strides = array<i32>} : memref<400x128xf32, #tpu.memory_space<vmem>>, vector<400x128xf32>,
    return
  }
  func.func @transform_0(%arg0: i32) -> (i32, i32) {
    %c0_i32 = arith.constant 0 : i32
    %c0_i32_0 = arith.constant 0 : i32
    return %arg0, %c0_i32 : i32, i32
  }
  func.func @transform_1(%arg0: i32) -> (i32, i32) {
    %c0_i32 = arith.constant 0 : i32
    %c0_i32_0 = arith.constant 0 : i32
    return %arg0, %c0_i32 : i32, i32
  }
  func.func @transform_2(%arg0: i32) -> (i32, i32) {
    %c0_i32 = arith.constant 0 : i32
    %c0_i32_0 = arith.constant 0 : i32
    return %arg0, %c0_i32 : i32, i32
  }
  func.func @transform_3(%arg0: i32) -> (i32, i32) {
    %c0_i32 = arith.constant 0 : i32
    %c0_i32_0 = arith.constant 0 : i32
    return %arg0, %c0_i32 : i32, i32
  }
  func.func @transform_4(%arg0: i32) -> (i32, i32) {
    %c0_i32 = arith.constant 0 : i32
    %c0_i32_0 = arith.constant 0 : i32
    return %arg0, %c0_i32 : i32, i32
  }
  func.func @transform_5(%arg0: i32) -> (i32, i32) {
    %c0_i32 = arith.constant 0 : i32
    %c0_i32_0 = arith.constant 0 : i32
    %c0_i32_1 = arith.constant 0 : i32
    return %c0_i32, %c0_i32_0 : i32, i32
  }
  func.func @transform_6(%arg0: i32) -> (i32, i32) {
    %c0_i32 = arith.constant 0 : i32
    %c0_i32_0 = arith.constant 0 : i32
    %c0_i32_1 = arith.constant 0 : i32
    return %c0_i32, %c0_i32_0 : i32, i32
  }
  func.func @transform_7(%arg0: i32) -> (i32, i32) {
    %c0_i32 = arith.constant 0 : i32
    %c0_i32_0 = arith.constant 0 : i32
    return %arg0, %c0_i32 : i32, i32
  }
}

</mosaic_0001>

<sc_bundles>
// kernel: kernel.10.cloned.1.call-start
scs
__scs_entry_jumppad:
0x0: {  	(pc) =	sbr.rel $0x88, $3  }
0x1: {  	(tag) =	ssettag $0x0;
	lr =	simm.s32 $0x1  }
0x2: {  	[smem:$0x3F90] =	sst lr;
	_ =	strace $0xD0000000  }
0x3: {  	_ = 	snop  }
0x4: {  	_ = 	snop  }
0x5: {  	_ = 	snop  }
0x6: {  	_ = 	snop  }
0x7: {  	_ = 	snop  }
__scs_overlays_trampoline_lowered:
0x8: {  	[smem:$0x3F9F] =	sst s0  }
0x9: {  	[smem:$0x3FA0] =	sst s1  }
0xa: {  	[smem:$0x3FA1] =	sst s2  }
0xb: {  	[smem:$0x3FA2] =	sst s3  }
0xc: {  	[smem:$0x3FA3] =	sst s4  }
0xd: {  	[smem:$0x3FA4] =	sst s5  }
0xe: {  	[smem:$0x3FA5] =	sst s6  }
0xf: {  	[smem:$0x3FA6] =	sst s7  }
0x10: {  	[smem:$0x3FA7] =	sst s8  }
0x11: {  	[smem:$0x3FA8] =	sst s9;
	s0 =	simm.s32 @!p0 $0x0  }
0x12: {  	s1 =	sld [smem:$0x3F8E];
	s0 =	simm.s32 @p0 $0x1  }
0x13: {  	[smem:$0x3FA9] =	sst s0;
	s0 =	simm.s32 @!p1 $0x0  }
0x14: {  	s2 =	sld [smem:$0x3F8D];
	s0 =	simm.s32 @p1 $0x1  }
0x15: {  	[smem:$0x3FAA] =	sst s0;
	s0 =	simm.s32 @!p2 $0x0  }
0x16: {  	s3 =	sld [smem:$0x3FDB];
	s0 =	simm.s32 @p2 $0x1  }
0x17: {  	s4 =	simm.s32 $0x1BF5;
	[smem:$0x3FAC] =	sst s0  }
0x18: {  	s0 =	sld [smem:$0x3F8F];
	_ =	swait.ge [sflag:s4], $0x0  }
0x19: {  	s7 =	sld [smem:$0x3F90]  }
0x1a: {  	s8 =	sadd.s32 $0xFFFFE003, lr  }
0x1b: {  	s9 =	sadd.s32 $0xFFFFFEF7, lr;
	s5 =	simm.s32 $0xFFFFFFFF;
	p2 =	slt.u32 s8, $0xFFFFF086  }
0x1c: {  	p1 =	slt.u32 s9, $0xF7A;
	s5 =	simm.s32 @!p2 $0x0  }
0x1d: {  	s5 =	simm.s32 @p1 $0x1;
	p0 =	seq.s32 s7, s2  }
0x1e: {  	s7 =	smul.u32 @!p0 $0xF7A, s2;
	p2 =	seq.s32 @!p0 s5, $0x0  }
0x1f: {  	s9 =	smul.u32 $0xF7A, s1;
	s8 =	simm.s32 @!p0 $0x1BF5;
	p2 =	por !p2, p0  }
0x20: {  	[sflag:s8] =	ssyncset.s32 @!p0 $0xFFFFF086;
	s6 =	sadd.s32 @!p0 s3, s7;
	s7 =	simm.s32 @!p0 $0x108  }
0x21: {  	s3 =	sadd.s32 s3, s9;
	s6 =	sadd.s32 @!p0 $0x88, s6;
	s7 =	simm.s32 @p2 $0x1082  }
0x22: {  	[simem:s7], [sflag:s8] =	dma.local @!p0 [hbm:s6], $0xF7A  }
0x23: {  	s9 =	sor.u32 $0xD0000000, s2;
	s6 =	simm.s32 $0x108;
	_ =	swait.ge @!p0 [sflag:s8], $0x0  }
0x24: {  	s3 =	sadd.s32 $0x88, s3;
	s6 =	simm.s32 @!p1 $0x1082;
	[sflag:s4] =	ssyncset.s32 $0xFFFFF086  }
0x25: {  	[simem:s6], [sflag:s4] =	dma.local [hbm:s3], $0xF7A  }
0x26: {  	[smem:$0x3F90] =	sst s1;
	(tag) =	ssettag s2;
	_ =	strace s9  }
0x27: {  	s1 =	sld [smem:$0x3FA0]  }
0x28: {  	s2 =	sld [smem:$0x3FA1]  }
0x29: {  	s4 =	sld [smem:$0x3FA3]  }
0x2a: {  	p0 =	seq.s32 s5, $0x0;
	s5 =	sld [smem:$0x3FA4]  }
0x2b: {  	s6 =	sld [smem:$0x3FA5]  }
0x2c: {  	s7 =	sld [smem:$0x3FA6]  }
0x2d: {  	s3 =	simm.s32 $0x108;
	s8 =	sld [smem:$0x3FA7]  }
0x2e: {  	s3 =	simm.s32 @!p0 $0x1082;
	s9 =	sld [smem:$0x3FA8]  }
0x2f: {  	lr =	sadd.s32 s0, s3;
	s0 =	sld [smem:$0x3F9F]  }
0x30: {  	s3 =	sld [smem:$0x3FA2]  }
0x31: {  	[smem:$0x3FAB] =	sst s10  }
0x32: {  	s10 =	sld [smem:$0x3FA9];
	_ =	sdelay $0x3  }
0x33: {  	p0 =	seq.s32 s10, $0x1;
	s10 =	sld [smem:$0x3FAB];
	_ =	sdelay $0x3  }
0x34: {  	[smem:$0x3FAB] =	sst s10  }
0x35: {  	s10 =	sld [smem:$0x3FAA];
	_ =	sdelay $0x3  }
0x36: {  	p1 =	seq.s32 s10, $0x1;
	s10 =	sld [smem:$0x3FAB];
	_ =	sdelay $0x3  }
0x37: {  	[smem:$0x3FAB] =	sst s10  }
0x38: {  	s10 =	sld [smem:$0x3FAC]  }
0x39: {  	_ = 	snop;
	(pc) =	sbr.ind lr, $3  }
0x3a: {  	_ = 	snop  }
0x3b: {  	_ = 	snop  }
0x3c: {  	p2 =	seq.s32 s10, $0x1;
	s10 =	sld [smem:$0x3FAB]  }
0x3d: {  	_ =	shalt  }
0x3e: {  	_ =	shalt  }
0x3f: {  	_ =	shalt  }
0x40: {  	_ =	shalt  }
0x41: {  	_ =	shalt  }
0x42: {  	_ =	shalt  }
0x43: {  	_ =	shalt  }
0x44: {  	_ =	shalt  }
0x45: {  	_ =	shalt  }
0x46: {  	_ =	shalt  }
0x47: {  	_ =	shalt  }
0x48: {  	_ =	shalt  }
0x49: {  	_ =	shalt  }
0x4a: {  	_ =	shalt  }
0x4b: {  	_ =	shalt  }
0x4c: {  	_ =	shalt  }
0x4d: {  	_ =	shalt  }
0x4e: {  	_ =	shalt  }
0x4f: {  	_ =	shalt  }
0x50: {  	_ =	shalt  }
0x51: {  	_ =	shalt  }
0x52: {  	_ =	shalt  }
0x53: {  	_ =	shalt  }
0x54: {  	_ =	shalt  }
0x55: {  	_ =	shalt  }
0x56: {  	_ =	shalt  }
0x57: {  	_ =	shalt  }
0x58: {  	_ =	shalt  }
0x59: {  	_ =	shalt  }
0x5a: {  	_ =	shalt  }
0x5b: {  	_ =	shalt  }
0x5c: {  	_ =	shalt  }
0x5d: {  	_ =	shalt  }
0x5e: {  	_ =	shalt  }
0x5f: {  	_ =	shalt  }
0x60: {  	_ =	shalt  }
0x61: {  	_ =	shalt  }
0x62: {  	_ =	shalt  }
0x63: {  	_ =	shalt  }
0x64: {  	_ =	shalt  }
0x65: {  	_ =	shalt  }
0x66: {  	_ =	shalt  }
0x67: {  	_ =	shalt  }
0x68: {  	_ =	shalt  }
0x69: {  	_ =	shalt  }
0x6a: {  	_ =	shalt  }
0x6b: {  	_ =	shalt  }
0x6c: {  	_ =	shalt  }
0x6d: {  	_ =	shalt  }
0x6e: {  	_ =	shalt  }
0x6f: {  	_ =	shalt  }
0x70: {  	_ =	shalt  }
0x71: {  	_ =	shalt  }
0x72: {  	_ =	shalt  }
0x73: {  	_ =	shalt  }
0x74: {  	_ =	shalt  }
0x75: {  	_ =	shalt  }
0x76: {  	_ =	shalt  }
0x77: {  	_ =	shalt  }
0x78: {  	_ =	shalt  }
0x79: {  	_ =	shalt  }
0x7a: {  	_ =	shalt  }
0x7b: {  	_ =	shalt  }
0x7c: {  	_ =	shalt  }
0x7d: {  	_ =	shalt  }
0x7e: {  	_ =	shalt  }
0x7f: {  	_ =	shalt  }
0x80: {  	_ =	shalt  }
0x81: {  	_ =	shalt  }
0x82: {  	_ =	shalt  }
0x83: {  	_ =	shalt  }
0x84: {  	_ =	shalt  }
0x85: {  	_ =	shalt  }
0x86: {  	_ =	shalt  }
0x87: {  	_ =	shalt  }
.Lfunc_end0:
.L_simem_size_0:
called_computation.1_lowered:
.L_overlay_start_0:
0x88: {  	s2 =	sld [smem:$0x3FD9]  }
0x89: {  	s3 =	sld [smem:$0x3FFE];
	_ =	sdelay $0x1  }
0x8a: {  	s1 =	srdreg.scid  }
0x8b: {  	s0 =	sand.u32 $0x1, s1  }
0x8c: {  	s16 =	sshll.u32 s0, $0xA;
	s2 =	sadd.s32 s3, s2  }
0x8d: {  	s2 =	sadd.s32 s2, s16  }
0x8e: {  	[smem:$0x3FB7] =	sst s2  }
0x8f: {  	_ = 	snop  }
0x90: {  	(tm) =	ssettm $0x1  }
0x91: {  	s17 =	sld [smem:$0x3FFB];
	_ =	sdelay $0x3  }
0x92: {  	_ =	strace s17  }
0x93: {  	s2 =	sld [smem:$0x3FFC];
	_ =	sdelay $0x3  }
0x94: {  	_ =	strace s2  }
0x95: {  	s2 =	sld [smem:$0x3FFD];
	_ =	sdelay $0x3  }
0x96: {  	_ =	strace s2  }
0x97: {  	_ =	strace $0x8FFFFFFF  }
0x98: {  	s18 =	sld [smem:$0x3FDB];
	_ =	sdelay $0x1  }
0x99: {  	s19 =	simm.s32 $_scs_section_size  }
0x9a: {  	s4 =	simm.s32 $_size__tile_overlayer_lowered;
	s5 =	simm.s32 $_tile_overlayer_lowered  }
0x9b: {  	s22 =	simm.s32 $0x1BFF;
	s21 =	sshll.u32 s5, $0x1;
	s2 =	sadd.s32 s19, s18  }
0x9c: {  	s6 =	simm.s32 $0x0;
	s20 =	sshll.u32 s4, $0x1;
	s4 =	sadd.s32 s21, s2  }
0x9d: {  	[timem:s6], [sflag:s22] =	dma.local [hbm:s4], s20  }
0x9e: {  	_ =	swait.ge [sflag:s22], s20  }
0x9f: {  	s3 =	ssub.s32 $0x0, s20;
	[sflag:s22] =	ssyncset.done $0x0  }
0xa0: {  	[sflag:s22] =	ssyncadd.s32 s3;
	_ =	sdelay $0x1  }
0xa1: {  	s23 =	simm.s32 $0x1B8B  }
0xa2: {  	_ =	swait.ge [sflag:s23], $0x1  }
0xa3: {  	[sflag:s23] =	ssyncset.done $0x0  }
0xa4: {  	s25 =	simm.s32 $0x1B8E;
	s24 =	sld [smem:$0x3FFE];
	[sflag:s23] =	ssyncadd.s32 $0xFFFFFFFF  }
0xa5: {  	s26 =	simm.s32 $execute0_lowered;
	[smem:$0x3FD2] =	sst s25  }
0xa6: {  	s4 =	sshll.u32 s26, $0x1;
	_ =	strace $0x80000049;
	[dreg:$0x1] =	wrdreg $0xFFFFFFFF  }
0xa7: {  	s28 =	simm.s32 $_size_execute0_lowered;
	s2 =	sadd.s32 s2, s4;
	[dreg:$0x0] =	wrdreg $0x0  }
0xa8: {  	s4 =	sshll.u32 s28, $0x1;
	[dreg:$0x2] =	wrdreg s2  }
0xa9: {  	[dreg:$0x3] =	wrdreg s4  }
0xaa: {  	[dreg:$0x4] =	wrdreg $0xC0  }
0xab: {  	_ =	task [dreg:s6], $0x5FFFF  }
0xac: {  	[dreg:$0x1] =	wrdreg $0xFFFFFFFF  }
0xad: {  	[dreg:$0x0] =	wrdreg $0x60  }
0xae: {  	[dreg:$0x2] =	wrdreg s24  }
0xaf: {  	[dreg:$0x3] =	wrdreg $0x68000  }
0xb0: {  	[dreg:$0x4] =	wrdreg $0x9  }
0xb1: {  	_ =	task.clear_ibuf [dreg:s6], $0x5FFFF;
	_ =	strace $0x90000049  }
0xb2: {  	s29 =	simm.s32 $0x9;
	_ =	strace $0x8000004B  }
0xb3: {  	_ =	swait.ge [sflag:s29], $0x1  }
0xb4: {  	[sflag:s29] =	ssyncadd.s32 $0xFFFFFFFF  }
0xb5: {  	_ =	strace $0x9000004B  }
0xb6: {  	_ =	sfence  }
0xb7: {  	s30 =	sld [smem:$0x0];
	_ =	sdelay $0x2  }
0xb8: {  	s31 =	sshll.u32 s1, $0xD;
	s1 =	sshrl.u32 s1, $0x2  }
0xb9: {  	s3 =	sand.u32 $0x4000, s31;
	s1 =	sadd.s32 s1, s30  }
0xba: {  	s0 =	sor.u32 s3, s0;
	s1 =	sshll.u32 s1, $0x11  }
0xbb: {  	s0 =	sor.u32 s1, s0  }
0xbc: {  	s0 =	sadd.s32 $0x8F2B, s0  }
0xbd: {  	[sflag:s0] =	ssyncadd.remote.s32 $0x1  }
0xbe: {  	_ =	sfence.sel $0xFFFF  }
0xbf: {  	[dreg:$0x0] =	wrdreg $0xFFFFFFFF;
	(pc) =	sbr.abs _section_cstart, $3  }
0xc0: {  	[dreg:$0x1] =	wrdreg $0xFFFFFFFF  }
0xc1: {  	_ =	task.clear_ibuf [dreg:s6], $0x2FFFF;
	_ =	strace $0x9FFFFFFF  }
0xc2: {  	(tm) =	ssettm $0x7FFFFFFF  }
0xc3: {  	_ =	shalt  }
tec
execute0_lowered:
.L_overlay_start_1:
0x0: {  	(tag) =	ssettag $0x1  }
0x1: {  	s0 =	srdreg.scid  }
0x2: {  	s4 =	rddreg [dreg:$0x0];
	s5 =	sand.u32 $0x1, s0  }
0x3: {  	s0 =	stileid.u32;
	s6 =	smul.u32 $0x28000, s5  }
0x4: {  	s2 =	rddreg [dreg:$0x1];
	s7 =	smul.u32 $0x2800, s0  }
0x5: {  	s1 =	rddreg [dreg:$0x2];
	s8 =	smul.u32 $0x280000, s5  }
0x6: {  	s3 =	simm.s32 $0x0;
	s14 =	simm.s32 $0x2800;
	s26 =	smul.u32 $0x14000, s0  }
0x7: {  	s15 =	simm.s32 $0x80;
	[smem:$0x7FF] =	sst s3;
	s9 =	smul.u32 $0x140000, s5  }
0x8: {  	s16 =	simm.s32 $0x0;
	_ =	strace $0x8000004A;
	s11 =	smul.u32 $0x50000, s0  }
0x9: {  	s5 =	ssub.s32 $0x2, s5;
	s30 =	sshll.u32 s0, $0x6;
	s31 =	smul.u32 $0x28000, s0  }
0xa: {  	s28 =	sshrl.u32 s5, $0x1;
	s6 =	sadd.s32 s7, s6;
	s8 =	sadd.s32 s8, s4  }
0xb: {  	s10 =	sshrl.u32 s26, $0x3;
	s7 =	sadd.s32 s26, s9;
	s9 =	ssub.s32 s5, s28  }
0xc: {  	s29 =	sshrl.u32 s11, $0x2;
	s5 =	sor.u32 $0x1C01, s30;
	s6 =	sshrl.u32 s6, $0x3  }
0xd: {  	s7 =	sshrl.u32 s7, $0x3;
	s10 =	sadd.s32 s10, s4;
	s13 =	sadd.s32 s29, s2  }
0xe: {  	s11 =	sadd.s32 s31, s8;
	s9 =	smax.u32 s9, $0x1;
	s6 =	sadd.s32 s6, s4  }
0xf: {  	s12 =	sadd.s32 s7, s4;
	s4 =	sadd.s32 $0xE800, s10;
	s10 =	sadd.s32 $0x196FE00, s11  }
0x10: {  	s11 =	sadd.s32 $0x1E6FE00, s11;
	s6 =	sadd.s32 $0x4800, s6;
	s7 =	sadd.s32 $0x8DE00, s12  }
0x11: {  	s8 =	sadd.s32 $0xDDE00, s12;
	s12 =	sshrl.u32 s13, $0x3;
	s13 =	simm.s32 $0x1  }
.LBB2_1:
0x12: {  	[spmem:s12], [sflag:s5] =	dma.local [hbm:s4], $0x2800  }
0x13: {  	_ =	swait.ge [sflag:s13], $0x2800  }
0x14: {  	[sflag:s13] =	ssyncset.done $0x0  }
0x15: {  	[sflag:s13] =	ssyncadd.s32 $0xFFFFD800  }
0x16: {  	[tilespmem:s3], [sflag:$0x1] =	stream.linear.gather [hbm4b:s6+s3], $0x2800, $0x38;
	[tilespmem:$0x1A800] =	vst v63  }
0x17: {  	_ =	swait.ge [sflag:s13], $0x2800  }
0x18: {  	[sflag:s13] =	ssyncset.done $0x0  }
0x19: {  	[sflag:s13] =	ssyncadd.s32 $0xFFFFD800  }
0x1a: {  	[bflag:$0x0] =	sbarrier.arrive $0xFFFF  }
0x1b: {  	[tilespmem:s14], [sflag:$0x1] =	stream.linear.gather [hbm4b:s10+s3], $0x4000, $0x38;
	[tilespmem:$0x1A800] =	vst v63  }
0x1c: {  	_ =	swait.ge [sflag:s13], $0x4000  }
0x1d: {  	[sflag:s13] =	ssyncset.done $0x0  }
0x1e: {  	s17 =	simm.s32 $0x0;
	[sflag:s13] =	ssyncadd.s32 $0xFFFFC000  }
0x1f: {  	[spmem:s2] =	stream.indirect.scatter.add.f32 [tilespmem:s14], [sflag:$0x1], $0x80, s17, s15, $0xb8;
	[tilespmem:$0x1A800] =	vst v63  }
0x20: {  	_ =	swait.ge [sflag:s13], $0x4000  }
0x21: {  	s18 =	smov.u32 s10;
	s17 =	simm.s32 $0x200;
	[sflag:s13] =	ssyncset.done $0x0  }
.LBB2_2:
0x22: {  	p0 =	sne.s32 s17, $0x9E00;
	[sflag:s13] =	ssyncadd.s32 $0xFFFFC000;
	s18 =	sadd.s32 $0x800, s18  }
0x23: {  	[tilespmem:s14], [sflag:$0x1] =	stream.linear.gather [hbm4b:s18+s3], $0x4000, $0x38;
	[tilespmem:$0x1A800] =	vst v63  }
0x24: {  	s19 =	smov.u32 s17;
	s17 =	sadd.s32 $0x200, s17;
	_ =	swait.ge [sflag:s13], $0x4000  }
.Ltmp0:
0x25: {  	[sflag:s13] =	ssyncset.done $0x0;
	(pc) =	sbr.rel @p0 .LBB2_2-.Ltmp0, $4  }
0x26: {  	s19 =	sshra.s32 s19, $0x2;
	[sflag:s13] =	ssyncadd.s32 $0xFFFFC000  }
0x27: {  	[spmem:s2] =	stream.indirect.scatter.add.f32 [tilespmem:s14], [sflag:$0x1], $0x80, s19, s15, $0xb8;
	[tilespmem:$0x1A800] =	vst v63  }
0x28: {  	_ =	swait.ge [sflag:s13], $0x4000  }
0x29: {  	[sflag:s13] =	ssyncset.done $0x0  }
0x2a: {  	[sflag:s13] =	ssyncadd.s32 $0xFFFFC000  }
0x2b: {  	[bflag:$0x0] =	sbarrier.arrive $0xFFFF  }
0x2c: {  	[hbm:s7], [sflag:s5] =	dma.local [spmem:s12], $0x2800  }
0x2d: {  	_ =	swait.ge [sflag:s13], $0x2800  }
0x2e: {  	[sflag:s13] =	ssyncset.done $0x0  }
0x2f: {  	[sflag:s13] =	ssyncadd.s32 $0xFFFFD800  }
0x30: {  	[spmem:s12], [sflag:s5] =	dma.local [hbm:s4], $0x2800  }
0x31: {  	_ =	swait.ge [sflag:s13], $0x2800  }
0x32: {  	[sflag:s13] =	ssyncset.done $0x0  }
0x33: {  	[sflag:s13] =	ssyncadd.s32 $0xFFFFD800  }
0x34: {  	[bflag:$0x0] =	sbarrier.arrive $0xFFFF  }
0x35: {  	[tilespmem:s14], [sflag:$0x1] =	stream.linear.gather [hbm4b:s11+s3], $0x4000, $0x38;
	[tilespmem:$0x1A800] =	vst v63  }
0x36: {  	_ =	swait.ge [sflag:s13], $0x4000  }
0x37: {  	[sflag:s13] =	ssyncset.done $0x0  }
0x38: {  	s17 =	simm.s32 $0x0;
	[sflag:s13] =	ssyncadd.s32 $0xFFFFC000  }
0x39: {  	[spmem:s2] =	stream.indirect.scatter.add.f32 [tilespmem:s14], [sflag:$0x1], $0x80, s17, s15, $0xb8;
	[tilespmem:$0x1A800] =	vst v63  }
0x3a: {  	_ =	swait.ge [sflag:s13], $0x4000  }
0x3b: {  	s18 =	smov.u32 s11;
	s17 =	simm.s32 $0x200;
	[sflag:s13] =	ssyncset.done $0x0  }
.LBB2_4:
0x3c: {  	p0 =	sne.s32 s17, $0x9E00;
	[sflag:s13] =	ssyncadd.s32 $0xFFFFC000;
	s18 =	sadd.s32 $0x800, s18  }
0x3d: {  	[tilespmem:s14], [sflag:$0x1] =	stream.linear.gather [hbm4b:s18+s3], $0x4000, $0x38;
	[tilespmem:$0x1A800] =	vst v63  }
0x3e: {  	s19 =	smov.u32 s17;
	s17 =	sadd.s32 $0x200, s17;
	_ =	swait.ge [sflag:s13], $0x4000  }
.Ltmp1:
0x3f: {  	[sflag:s13] =	ssyncset.done $0x0;
	(pc) =	sbr.rel @p0 .LBB2_4-.Ltmp1, $4  }
0x40: {  	s19 =	sshra.s32 s19, $0x2;
	[sflag:s13] =	ssyncadd.s32 $0xFFFFC000  }
0x41: {  	[spmem:s2] =	stream.indirect.scatter.add.f32 [tilespmem:s14], [sflag:$0x1], $0x80, s19, s15, $0xb8;
	[tilespmem:$0x1A800] =	vst v63  }
0x42: {  	_ =	swait.ge [sflag:s13], $0x4000  }
0x43: {  	[sflag:s13] =	ssyncset.done $0x0  }
0x44: {  	s16 =	sadd.s32 $0x1, s16  }
0x45: {  	[sflag:s13] =	ssyncadd.s32 $0xFFFFC000;
	p0 =	sne.s32 s16, s9  }
.Ltmp2:
0x46: {  	[bflag:$0x0] =	sbarrier.arrive $0xFFFF;
	(pc) =	sbr.rel @p0 .LBB2_1-.Ltmp2, $4  }
0x47: {  	[hbm:s8], [sflag:s5] =	dma.local [spmem:s12], $0x2800  }
0x48: {  	_ =	swait.ge [sflag:s13], $0x2800  }
0x49: {  	[sflag:s13] =	ssyncset.done $0x0  }
0x4a: {  	[sflag:s13] =	ssyncadd.s32 $0xFFFFD800  }
0x4b: {  	_ =	sfence.sel $0x180000  }
0x4c: {  	[bflag:$0x0] =	sbarrier.arrive $0xFFFF  }
0x4d: {  	p0 =	sne.s32 s0, $0x0;
	_ =	strace $0x9000004A  }
0x4e: {  	s0 =	sadd.s32 @!p0 $0x100000, s1;
	[bflag:$0x2] =	sbarrier.arrive $0xFFFF  }
0x4f: {  	[sflag:s0] =	ssyncadd.tile.s32 @!p0 $0x1;
	_ =	shalt  }
.Lfunc_end2:
_tile_overlayer_lowered:
.L_overlay_start_2:
0x50: {  	(tag) =	ssettag $0x2  }
0x51: {  	s0 =	rddreg [dreg:$0x0];
	s2 =	stileid.u32  }
0x52: {  	s1 =	rddreg [dreg:$0x1];
	p0 =	sne.s32 s2, $0x0  }
0x53: {  	s3 =	rddreg [dreg:$0x2];
	[bflag:$0x3] =	sbarrier.arrive $0xFFFF;
	s2 =	simm.s32 @!p0 $0x1C01  }
0x54: {  	[timem:s3], [sflag:s2] =	dma.local @!p0 [hbm:s0], s1  }
0x55: {  	s0 =	simm.s32 @!p0 $0x1  }
0x56: {  	_ =	swait.ge @!p0 [sflag:s0], s1  }
0x57: {  	s1 =	ssub.s32 @!p0 $0x0, s1;
	[sflag:s0] =	ssyncset.done @!p0 $0x0  }
0x58: {  	[sflag:s0] =	ssyncadd.s32 @!p0 s1  }
0x59: {  	[bflag:$0x3] =	sbarrier.arrive $0xFFFF  }
0x5a: {  	_ =	shalt  }

// kernel: kernel.7.cloned.1.call-start
scs
__scs_entry_jumppad:
0x0: {  	(pc) =	sbr.rel $0x88, $3  }
0x1: {  	(tag) =	ssettag $0x0;
	lr =	simm.s32 $0x1  }
0x2: {  	[smem:$0x3F90] =	sst lr;
	_ =	strace $0xD0000000  }
0x3: {  	_ = 	snop  }
0x4: {  	_ = 	snop  }
0x5: {  	_ = 	snop  }
0x6: {  	_ = 	snop  }
0x7: {  	_ = 	snop  }
__scs_overlays_trampoline_lowered:
0x8: {  	[smem:$0x3F9F] =	sst s0  }
0x9: {  	[smem:$0x3FA0] =	sst s1  }
0xa: {  	[smem:$0x3FA1] =	sst s2  }
0xb: {  	[smem:$0x3FA2] =	sst s3  }
0xc: {  	[smem:$0x3FA3] =	sst s4  }
0xd: {  	[smem:$0x3FA4] =	sst s5  }
0xe: {  	[smem:$0x3FA5] =	sst s6  }
0xf: {  	[smem:$0x3FA6] =	sst s7  }
0x10: {  	[smem:$0x3FA7] =	sst s8  }
0x11: {  	[smem:$0x3FA8] =	sst s9;
	s0 =	simm.s32 @!p0 $0x0  }
0x12: {  	s1 =	sld [smem:$0x3F8E];
	s0 =	simm.s32 @p0 $0x1  }
0x13: {  	[smem:$0x3FA9] =	sst s0;
	s0 =	simm.s32 @!p1 $0x0  }
0x14: {  	s2 =	sld [smem:$0x3F8D];
	s0 =	simm.s32 @p1 $0x1  }
0x15: {  	[smem:$0x3FAA] =	sst s0;
	s0 =	simm.s32 @!p2 $0x0  }
0x16: {  	s3 =	sld [smem:$0x3FDB];
	s0 =	simm.s32 @p2 $0x1  }
0x17: {  	s4 =	simm.s32 $0x1BF5;
	[smem:$0x3FAC] =	sst s0  }
0x18: {  	s0 =	sld [smem:$0x3F8F];
	_ =	swait.ge [sflag:s4], $0x0  }
0x19: {  	s7 =	sld [smem:$0x3F90]  }
0x1a: {  	s8 =	sadd.s32 $0xFFFFE003, lr  }
0x1b: {  	s9 =	sadd.s32 $0xFFFFFEF7, lr;
	s5 =	simm.s32 $0xFFFFFFFF;
	p2 =	slt.u32 s8, $0xFFFFF086  }
0x1c: {  	p1 =	slt.u32 s9, $0xF7A;
	s5 =	simm.s32 @!p2 $0x0  }
0x1d: {  	s5 =	simm.s32 @p1 $0x1;
	p0 =	seq.s32 s7, s2  }
0x1e: {  	s7 =	smul.u32 @!p0 $0xF7A, s2;
	p2 =	seq.s32 @!p0 s5, $0x0  }
0x1f: {  	s9 =	smul.u32 $0xF7A, s1;
	s8 =	simm.s32 @!p0 $0x1BF5;
	p2 =	por !p2, p0  }
0x20: {  	[sflag:s8] =	ssyncset.s32 @!p0 $0xFFFFF086;
	s6 =	sadd.s32 @!p0 s3, s7;
	s7 =	simm.s32 @!p0 $0x108  }
0x21: {  	s3 =	sadd.s32 s3, s9;
	s6 =	sadd.s32 @!p0 $0x88, s6;
	s7 =	simm.s32 @p2 $0x1082  }
0x22: {  	[simem:s7], [sflag:s8] =	dma.local @!p0 [hbm:s6], $0xF7A  }
0x23: {  	s9 =	sor.u32 $0xD0000000, s2;
	s6 =	simm.s32 $0x108;
	_ =	swait.ge @!p0 [sflag:s8], $0x0  }
0x24: {  	s3 =	sadd.s32 $0x88, s3;
	s6 =	simm.s32 @!p1 $0x1082;
	[sflag:s4] =	ssyncset.s32 $0xFFFFF086  }
0x25: {  	[simem:s6], [sflag:s4] =	dma.local [hbm:s3], $0xF7A  }
0x26: {  	[smem:$0x3F90] =	sst s1;
	(tag) =	ssettag s2;
	_ =	strace s9  }
0x27: {  	s1 =	sld [smem:$0x3FA0]  }
0x28: {  	s2 =	sld [smem:$0x3FA1]  }
0x29: {  	s4 =	sld [smem:$0x3FA3]  }
0x2a: {  	p0 =	seq.s32 s5, $0x0;
	s5 =	sld [smem:$0x3FA4]  }
0x2b: {  	s6 =	sld [smem:$0x3FA5]  }
0x2c: {  	s7 =	sld [smem:$0x3FA6]  }
0x2d: {  	s3 =	simm.s32 $0x108;
	s8 =	sld [smem:$0x3FA7]  }
0x2e: {  	s3 =	simm.s32 @!p0 $0x1082;
	s9 =	sld [smem:$0x3FA8]  }
0x2f: {  	lr =	sadd.s32 s0, s3;
	s0 =	sld [smem:$0x3F9F]  }
0x30: {  	s3 =	sld [smem:$0x3FA2]  }
0x31: {  	[smem:$0x3FAB] =	sst s10  }
0x32: {  	s10 =	sld [smem:$0x3FA9];
	_ =	sdelay $0x3  }
0x33: {  	p0 =	seq.s32 s10, $0x1;
	s10 =	sld [smem:$0x3FAB];
	_ =	sdelay $0x3  }
0x34: {  	[smem:$0x3FAB] =	sst s10  }
0x35: {  	s10 =	sld [smem:$0x3FAA];
	_ =	sdelay $0x3  }
0x36: {  	p1 =	seq.s32 s10, $0x1;
	s10 =	sld [smem:$0x3FAB];
	_ =	sdelay $0x3  }
0x37: {  	[smem:$0x3FAB] =	sst s10  }
0x38: {  	s10 =	sld [smem:$0x3FAC]  }
0x39: {  	_ = 	snop;
	(pc) =	sbr.ind lr, $3  }
0x3a: {  	_ = 	snop  }
0x3b: {  	_ = 	snop  }
0x3c: {  	p2 =	seq.s32 s10, $0x1;
	s10 =	sld [smem:$0x3FAB]  }
0x3d: {  	_ =	shalt  }
0x3e: {  	_ =	shalt  }
0x3f: {  	_ =	shalt  }
0x40: {  	_ =	shalt  }
0x41: {  	_ =	shalt  }
0x42: {  	_ =	shalt  }
0x43: {  	_ =	shalt  }
0x44: {  	_ =	shalt  }
0x45: {  	_ =	shalt  }
0x46: {  	_ =	shalt  }
0x47: {  	_ =	shalt  }
0x48: {  	_ =	shalt  }
0x49: {  	_ =	shalt  }
0x4a: {  	_ =	shalt  }
0x4b: {  	_ =	shalt  }
0x4c: {  	_ =	shalt  }
0x4d: {  	_ =	shalt  }
0x4e: {  	_ =	shalt  }
0x4f: {  	_ =	shalt  }
0x50: {  	_ =	shalt  }
0x51: {  	_ =	shalt  }
0x52: {  	_ =	shalt  }
0x53: {  	_ =	shalt  }
0x54: {  	_ =	shalt  }
0x55: {  	_ =	shalt  }
0x56: {  	_ =	shalt  }
0x57: {  	_ =	shalt  }
0x58: {  	_ =	shalt  }
0x59: {  	_ =	shalt  }
0x5a: {  	_ =	shalt  }
0x5b: {  	_ =	shalt  }
0x5c: {  	_ =	shalt  }
0x5d: {  	_ =	shalt  }
0x5e: {  	_ =	shalt  }
0x5f: {  	_ =	shalt  }
0x60: {  	_ =	shalt  }
0x61: {  	_ =	shalt  }
0x62: {  	_ =	shalt  }
0x63: {  	_ =	shalt  }
0x64: {  	_ =	shalt  }
0x65: {  	_ =	shalt  }
0x66: {  	_ =	shalt  }
0x67: {  	_ =	shalt  }
0x68: {  	_ =	shalt  }
0x69: {  	_ =	shalt  }
0x6a: {  	_ =	shalt  }
0x6b: {  	_ =	shalt  }
0x6c: {  	_ =	shalt  }
0x6d: {  	_ =	shalt  }
0x6e: {  	_ =	shalt  }
0x6f: {  	_ =	shalt  }
0x70: {  	_ =	shalt  }
0x71: {  	_ =	shalt  }
0x72: {  	_ =	shalt  }
0x73: {  	_ =	shalt  }
0x74: {  	_ =	shalt  }
0x75: {  	_ =	shalt  }
0x76: {  	_ =	shalt  }
0x77: {  	_ =	shalt  }
0x78: {  	_ =	shalt  }
0x79: {  	_ =	shalt  }
0x7a: {  	_ =	shalt  }
0x7b: {  	_ =	shalt  }
0x7c: {  	_ =	shalt  }
0x7d: {  	_ =	shalt  }
0x7e: {  	_ =	shalt  }
0x7f: {  	_ =	shalt  }
0x80: {  	_ =	shalt  }
0x81: {  	_ =	shalt  }
0x82: {  	_ =	shalt  }
0x83: {  	_ =	shalt  }
0x84: {  	_ =	shalt  }
0x85: {  	_ =	shalt  }
0x86: {  	_ =	shalt  }
0x87: {  	_ =	shalt  }
.Lfunc_end0:
.L_simem_size_0:
called_computation_lowered:
.L_overlay_start_0:
0x88: {  	s2 =	sld [smem:$0x3FD9]  }
0x89: {  	s3 =	sld [smem:$0x3FFE];
	_ =	sdelay $0x1  }
0x8a: {  	s1 =	srdreg.scid  }
0x8b: {  	s0 =	sand.u32 $0x1, s1  }
0x8c: {  	s17 =	sshll.u32 s0, $0xA;
	s2 =	sadd.s32 s3, s2  }
0x8d: {  	s2 =	sadd.s32 s2, s17  }
0x8e: {  	[smem:$0x3FB7] =	sst s2  }
0x8f: {  	_ = 	snop  }
0x90: {  	s2 =	sld [smem:$0x3FD0];
	(tm) =	ssettm $0x1  }
0x91: {  	s18 =	sld [smem:$0x3FFB];
	_ =	sdelay $0x3  }
0x92: {  	_ =	strace s18  }
0x93: {  	s3 =	sld [smem:$0x3FFC];
	_ =	sdelay $0x3  }
0x94: {  	_ =	strace s3  }
0x95: {  	s3 =	sld [smem:$0x3FFD];
	_ =	sdelay $0x3  }
0x96: {  	_ =	strace s3  }
0x97: {  	_ =	strace $0x8FFFFFFF  }
0x98: {  	s19 =	sld [smem:$0x3FDB];
	_ =	sdelay $0x1  }
0x99: {  	s4 =	simm.s32 $_scs_section_size  }
0x9a: {  	s5 =	simm.s32 $_size__tile_overlayer_lowered;
	s6 =	simm.s32 $_tile_overlayer_lowered  }
0x9b: {  	s22 =	simm.s32 $0x1BFF;
	s21 =	sshll.u32 s6, $0x1;
	s3 =	sadd.s32 s4, s19  }
0x9c: {  	s7 =	simm.s32 $0x0;
	s20 =	sshll.u32 s5, $0x1;
	s5 =	sadd.s32 s21, s3  }
0x9d: {  	[timem:s7], [sflag:s22] =	dma.local [hbm:s5], s20  }
0x9e: {  	_ =	swait.ge [sflag:s22], s20  }
0x9f: {  	s4 =	ssub.s32 $0x0, s20;
	[sflag:s22] =	ssyncset.done $0x0  }
0xa0: {  	[sflag:s22] =	ssyncadd.s32 s4;
	_ =	sdelay $0x1  }
0xa1: {  	s23 =	simm.s32 $0x1B8B  }
0xa2: {  	_ =	swait.ge [sflag:s23], $0x1  }
0xa3: {  	[sflag:s23] =	ssyncset.done $0x0  }
0xa4: {  	s25 =	simm.s32 $0x1B8E;
	s24 =	sld [smem:$0x3FFE];
	[sflag:s23] =	ssyncadd.s32 $0xFFFFFFFF  }
0xa5: {  	s26 =	simm.s32 $execute0_lowered;
	[smem:$0x3FD2] =	sst s25  }
0xa6: {  	s5 =	sshll.u32 s26, $0x1;
	_ =	strace $0x80000046;
	[dreg:$0x1] =	wrdreg $0xFFFFFFFF  }
0xa7: {  	s28 =	simm.s32 $_size_execute0_lowered;
	s3 =	sadd.s32 s3, s5;
	[dreg:$0x0] =	wrdreg $0x0  }
0xa8: {  	s5 =	sshll.u32 s28, $0x1;
	[dreg:$0x2] =	wrdreg s3  }
0xa9: {  	[dreg:$0x3] =	wrdreg s5  }
0xaa: {  	[dreg:$0x4] =	wrdreg $0xC0  }
0xab: {  	_ =	task [dreg:s7], $0x5FFFF  }
0xac: {  	[dreg:$0x1] =	wrdreg $0xFFFFFFFF  }
0xad: {  	[dreg:$0x0] =	wrdreg $0x60  }
0xae: {  	[dreg:$0x2] =	wrdreg s2  }
0xaf: {  	[dreg:$0x3] =	wrdreg s24  }
0xb0: {  	[dreg:$0x4] =	wrdreg $0x9  }
0xb1: {  	_ =	task.clear_ibuf [dreg:s7], $0x5FFFF;
	_ =	strace $0x90000046  }
0xb2: {  	s29 =	simm.s32 $0x9;
	_ =	strace $0x80000048  }
0xb3: {  	_ =	swait.ge [sflag:s29], $0x1  }
0xb4: {  	[sflag:s29] =	ssyncadd.s32 $0xFFFFFFFF  }
0xb5: {  	_ =	strace $0x90000048  }
0xb6: {  	_ =	sfence  }
0xb7: {  	s30 =	sld [smem:$0x0];
	_ =	sdelay $0x2  }
0xb8: {  	s31 =	sshll.u32 s1, $0xD;
	s1 =	sshrl.u32 s1, $0x2  }
0xb9: {  	s3 =	sand.u32 $0x4000, s31;
	s1 =	sadd.s32 s1, s30  }
0xba: {  	s0 =	sor.u32 s3, s0;
	s1 =	sshll.u32 s1, $0x11  }
0xbb: {  	s0 =	sor.u32 s1, s0  }
0xbc: {  	s0 =	sadd.s32 $0x8F2B, s0  }
0xbd: {  	[sflag:s0] =	ssyncadd.remote.s32 $0x1  }
0xbe: {  	_ =	sfence.sel $0xFFFF  }
0xbf: {  	[dreg:$0x0] =	wrdreg $0xFFFFFFFF;
	(pc) =	sbr.abs _section_cstart, $3  }
0xc0: {  	[dreg:$0x1] =	wrdreg $0xFFFFFFFF  }
0xc1: {  	_ =	task.clear_ibuf [dreg:s7], $0x2FFFF;
	_ =	strace $0x9FFFFFFF  }
0xc2: {  	(tm) =	ssettm $0x7FFFFFFF  }
0xc3: {  	_ =	shalt  }
tec
execute0_lowered:
.L_overlay_start_1:
0x0: {  	(tag) =	ssettag $0x1  }
0x1: {  	s2 =	rddreg [dreg:$0x0];
	s1 =	srdreg.scid  }
0x2: {  	s0 =	stileid.u32;
	s6 =	rddreg [dreg:$0x1];
	s3 =	simm.s32 $0x0  }
0x3: {  	s12 =	simm.s32 $0x4;
	s13 =	simm.s32 $0x80;
	s14 =	simm.s32 $0x5000  }
0x4: {  	s15 =	simm.s32 $0x9000;
	s16 =	simm.s32 $0xD000;
	s17 =	simm.s32 $0x1  }
0x5: {  	s18 =	simm.s32 $0x2;
	s19 =	simm.s32 $0x3;
	s20 =	simm.s32 $0x0  }
0x6: {  	s7 =	sand.u32 $0x1, s1;
	s4 =	sshll.u32 s0, $0x1;
	s1 =	rddreg [dreg:$0x2]  }
0x7: {  	[smem:$0x7FF] =	sst s3;
	s9 =	smul.u32 $0x50000, s0;
	s5 =	sadd.s32 $0x3FA00, s6  }
0x8: {  	s4 =	sor.u32 s7, s4;
	s10 =	ssub.s32 $0x2, s7;
	s7 =	smul.u32 $0x28000, s7  }
0x9: {  	_ =	strace $0x80000047;
	s8 =	smul.u32 $0x2800, s4;
	s11 =	sshrl.u32 s10, $0x1  }
0xa: {  	s4 =	sadd.s32 $0x18800, s6;
	s9 =	sadd.s32 s9, s6;
	s10 =	ssub.s32 s10, s11  }
0xb: {  	s31 =	sadd.s32 s7, s9;
	s8 =	sshrl.u32 s8, $0x3;
	s9 =	smax.u32 s10, $0x1  }
0xc: {  	s10 =	sadd.s32 $0x58DE00, s31;
	s11 =	sadd.s32 $0xA8DE00, s31;
	s8 =	sadd.s32 s8, s6  }
0xd: {  	s6 =	sadd.s32 $0xE800, s8;
	s7 =	sadd.s32 $0x4800, s8;
	s8 =	sadd.s32 $0x8DE00, s31  }
.LBB2_1:
0xe: {  	[tilespmem:s3], [sflag:$0x4] =	stream.linear.gather [hbm4b:s6+s3], $0x2800, $0x38;
	[tilespmem:$0x11000] =	vst v63  }
0xf: {  	_ =	swait.ge [sflag:s12], $0x2800  }
0x10: {  	[sflag:s12] =	ssyncset.done $0x0  }
0x11: {  	s21 =	simm.s32 $0x2800;
	[sflag:s12] =	ssyncadd.s32 $0xFFFFD800  }
0x12: {  	[tilespmem:s21], [sflag:$0x4] =	stream.linear.gather [hbm4b:s7+s3], $0x2800, $0x38;
	[tilespmem:$0x11000] =	vst v63  }
0x13: {  	_ =	swait.ge [sflag:s12], $0x2800  }
0x14: {  	[sflag:s12] =	ssyncset.done $0x0  }
0x15: {  	[sflag:s12] =	ssyncadd.s32 $0xFFFFD800  }
0x16: {  	[tilespmem:s14], [sflag:$0x1] =	stream.indirect.gather [hbm4b:s2+s13], $0x80, s3, s13, $0xb8;
	[tilespmem:$0x11000] =	vst v63  }
0x17: {  	_ = 	snop  }
0x18: {  	[tilespmem:s15], [sflag:$0x2] =	stream.indirect.gather [hbm4b:s4+s13], $0x80, s3, s13, $0xb8;
	[tilespmem:$0x11000] =	vst v63  }
0x19: {  	_ = 	snop  }
0x1a: {  	[tilespmem:s16], [sflag:$0x3] =	stream.indirect.gather [hbm4b:s5+s13], $0x80, s21, s13, $0xb8;
	[tilespmem:$0x11000] =	vst v63  }
0x1b: {  	_ =	swait.ge [sflag:s17], $0x4000  }
0x1c: {  	[sflag:s17] =	ssyncset.done $0x0  }
0x1d: {  	[sflag:s17] =	ssyncadd.s32 $0xFFFFC000  }
0x1e: {  	_ =	swait.ge [sflag:s18], $0x4000  }
0x1f: {  	[sflag:s18] =	ssyncset.done $0x0  }
0x20: {  	[sflag:s18] =	ssyncadd.s32 $0xFFFFC000  }
0x21: {  	_ =	swait.ge [sflag:s19], $0x4000  }
0x22: {  	[sflag:s19] =	ssyncset.done $0x0  }
0x23: {  	s22 =	sadd.s32 $0x0, s8;
	[sflag:s19] =	ssyncadd.s32 $0xFFFFC000  }
0x24: {  	[hbm4b:s22+s3] =	stream.linear.scatter [tilespmem:s14], [sflag:$0x4], $0x4000, $0x38;
	[tilespmem:$0x11000] =	vst v63  }
0x25: {  	_ =	swait.ge [sflag:s12], $0x4000  }
0x26: {  	[sflag:s12] =	ssyncset.done $0x0  }
0x27: {  	s30 =	sadd.s32 $0x0, s10;
	[sflag:s12] =	ssyncadd.s32 $0xFFFFC000  }
0x28: {  	[hbm4b:s30+s3] =	stream.linear.scatter [tilespmem:s15], [sflag:$0x4], $0x4000, $0x38;
	[tilespmem:$0x11000] =	vst v63  }
0x29: {  	_ =	swait.ge [sflag:s12], $0x4000  }
0x2a: {  	[sflag:s12] =	ssyncset.done $0x0  }
0x2b: {  	s31 =	sadd.s32 $0x0, s11;
	[sflag:s12] =	ssyncadd.s32 $0xFFFFC000  }
0x2c: {  	[hbm4b:s31+s3] =	stream.linear.scatter [tilespmem:s16], [sflag:$0x4], $0x4000, $0x38;
	[tilespmem:$0x11000] =	vst v63  }
0x2d: {  	_ =	swait.ge [sflag:s12], $0x4000  }
0x2e: {  	s23 =	simm.s32 $0x0;
	s22 =	simm.s32 $0x800;
	[sflag:s12] =	ssyncset.done $0x0  }
.LBB2_2:
0x2f: {  	[sflag:s12] =	ssyncadd.s32 $0xFFFFC000;
	s23 =	sadd.s32 $0x80, s23;
	s21 =	sadd.s32 $0x80, s21  }
0x30: {  	[tilespmem:s14], [sflag:$0x1] =	stream.indirect.gather [hbm4b:s2+s13], $0x80, s23, s13, $0xb8;
	[tilespmem:$0x11000] =	vst v63  }
0x31: {  	p0 =	sne.s32 s22, $0x27800;
	s24 =	smov.u32 s22;
	s22 =	sadd.s32 $0x800, s22  }
0x32: {  	[tilespmem:s15], [sflag:$0x2] =	stream.indirect.gather [hbm4b:s4+s13], $0x80, s23, s13, $0xb8;
	[tilespmem:$0x11000] =	vst v63  }
0x33: {  	_ = 	snop  }
0x34: {  	[tilespmem:s16], [sflag:$0x3] =	stream.indirect.gather [hbm4b:s5+s13], $0x80, s21, s13, $0xb8;
	[tilespmem:$0x11000] =	vst v63  }
0x35: {  	_ =	swait.ge [sflag:s17], $0x4000  }
0x36: {  	[sflag:s17] =	ssyncset.done $0x0  }
0x37: {  	[sflag:s17] =	ssyncadd.s32 $0xFFFFC000  }
0x38: {  	_ =	swait.ge [sflag:s18], $0x4000  }
0x39: {  	[sflag:s18] =	ssyncset.done $0x0  }
0x3a: {  	[sflag:s18] =	ssyncadd.s32 $0xFFFFC000  }
0x3b: {  	_ =	swait.ge [sflag:s19], $0x4000  }
0x3c: {  	[sflag:s19] =	ssyncset.done $0x0  }
0x3d: {  	s25 =	sadd.s32 s24, s8;
	[sflag:s19] =	ssyncadd.s32 $0xFFFFC000  }
0x3e: {  	[hbm4b:s25+s3] =	stream.linear.scatter [tilespmem:s14], [sflag:$0x4], $0x4000, $0x38;
	[tilespmem:$0x11000] =	vst v63  }
0x3f: {  	_ =	swait.ge [sflag:s12], $0x4000  }
0x40: {  	[sflag:s12] =	ssyncset.done $0x0  }
0x41: {  	s25 =	sadd.s32 s24, s10;
	[sflag:s12] =	ssyncadd.s32 $0xFFFFC000  }
0x42: {  	[hbm4b:s25+s3] =	stream.linear.scatter [tilespmem:s15], [sflag:$0x4], $0x4000, $0x38;
	[tilespmem:$0x11000] =	vst v63  }
0x43: {  	_ =	swait.ge [sflag:s12], $0x4000  }
.Ltmp0:
0x44: {  	[sflag:s12] =	ssyncset.done $0x0;
	(pc) =	sbr.rel @p0 .LBB2_2-.Ltmp0, $4  }
0x45: {  	s24 =	sadd.s32 s24, s11;
	[sflag:s12] =	ssyncadd.s32 $0xFFFFC000  }
0x46: {  	[hbm4b:s24+s3] =	stream.linear.scatter [tilespmem:s16], [sflag:$0x4], $0x4000, $0x38;
	[tilespmem:$0x11000] =	vst v63  }
0x47: {  	_ =	swait.ge [sflag:s12], $0x4000  }
0x48: {  	[sflag:s12] =	ssyncset.done $0x0  }
0x49: {  	s20 =	sadd.s32 $0x1, s20  }
0x4a: {  	p0 =	sne.s32 s20, s9  }
.Ltmp1:
0x4b: {  	_ = 	snop;
	(pc) =	sbr.rel @p0 .LBB2_1-.Ltmp1, $2  }
0x4c: {  	_ =	sdelay $0x2  }
0x4d: {  	[sflag:s12] =	ssyncadd.s32 $0xFFFFC000  }
0x4e: {  	_ =	sfence.sel $0x180000  }
0x4f: {  	[bflag:$0x0] =	sbarrier.arrive $0xFFFF  }
0x50: {  	p0 =	sne.s32 s0, $0x0;
	_ =	strace $0x90000047  }
0x51: {  	s0 =	sadd.s32 @!p0 $0x100000, s1;
	[bflag:$0x2] =	sbarrier.arrive $0xFFFF  }
0x52: {  	[sflag:s0] =	ssyncadd.tile.s32 @!p0 $0x1;
	_ =	shalt  }
.Lfunc_end2:
_tile_overlayer_lowered:
.L_overlay_start_2:
0x53: {  	(tag) =	ssettag $0x2  }
0x54: {  	s0 =	rddreg [dreg:$0x0];
	s2 =	stileid.u32  }
0x55: {  	s1 =	rddreg [dreg:$0x1];
	p0 =	sne.s32 s2, $0x0  }
0x56: {  	s3 =	rddreg [dreg:$0x2];
	[bflag:$0x3] =	sbarrier.arrive $0xFFFF;
	s2 =	simm.s32 @!p0 $0x1C04  }
0x57: {  	[timem:s3], [sflag:s2] =	dma.local @!p0 [hbm:s0], s1  }
0x58: {  	s0 =	simm.s32 @!p0 $0x4  }
0x59: {  	_ =	swait.ge @!p0 [sflag:s0], s1  }
0x5a: {  	s1 =	ssub.s32 @!p0 $0x0, s1;
	[sflag:s0] =	ssyncset.done @!p0 $0x0  }
0x5b: {  	[sflag:s0] =	ssyncadd.s32 @!p0 s1  }
0x5c: {  	[bflag:$0x3] =	sbarrier.arrive $0xFFFF  }
0x5d: {  	_ =	shalt  }

</sc_bundles>
